<compile_context>
chip_gen: v7x
topology: tpu7x:2x2x1
jax: 0.10.2.dev20260603
libtpu: 0.0.44.dev20260713+nightly
codegen_flags: <defaults>
</compile_context>

<pallas_src>
import jax
import jax.numpy as jnp
from jax import lax
from jax.experimental import pallas as pl
from jax.experimental.pallas import tpu as pltpu
from jax.experimental.pallas import tpu_sc as plsc

N = 10000
E = 320000
DIN = 128
H = 256
HH = 128
G = 64
DOUT = 4
NP = 10240
NT = 16
NC = 2
K = 80
NBUF = 2
CH_P = E // NT // K
CH_D = E // (NC * NT) // K
NH = N // 2
DUMMY = NH
RPH = 312
HTAIL0 = RPH * NT
HTAILN = NH - HTAIL0
RPTP = NP // NT
RB = 1000
NB = N // RB



def _sc_mesh():
    return plsc.VectorSubcoreMesh(core_axis_name="c", subcore_axis_name="s")


def _deg_body(dst_hbm, out_hbm, idxbuf, ones_v, zeros_v, acc):
    c = lax.axis_index("c")
    s = lax.axis_index("s")

    def fz(i, _):
        zeros_v[pl.ds(i * 16, 16)] = jnp.zeros((16,), jnp.float32)
        return 0
    lax.fori_loop(0, RPTP // 16, fz, 0)

    def fo(i, _):
        ones_v[pl.ds(i * 16, 16)] = jnp.ones((16,), jnp.float32)
        return 0
    lax.fori_loop(0, K // 16, fo, 0)

    pltpu.sync_copy(zeros_v, acc.at[pl.ds(s * RPTP, RPTP)])
    pltpu.sync_copy(dst_hbm.at[c, s], idxbuf)
    plsc.subcore_barrier()

    def body(i, _):
        pltpu.sync_copy(ones_v, acc.at[idxbuf.at[i]], add=True)
        return 0
    lax.fori_loop(0, CH_D, body, 0)

    plsc.subcore_barrier()
    pltpu.sync_copy(acc.at[pl.ds(s * RPTP, RPTP)],
                    out_hbm.at[c, pl.ds(s * RPTP, RPTP)])


def _deg_call(dst_r):
    f = pl.kernel(
        _deg_body,
        out_type=jax.ShapeDtypeStruct((NC, NP), jnp.float32),
        mesh=_sc_mesh(),
        scratch_types=[
            pltpu.VMEM((CH_D, K), jnp.int32),
            pltpu.VMEM((K,), jnp.float32),
            pltpu.VMEM((RPTP,), jnp.float32),
            pltpu.VMEM_SHARED((NP,), jnp.float32),
        ],
    )
    return f(dst_r)


def _prop_body(zf0, zf1, zi0, zi1, lo_hbm, src_r, dst_r, out0, out1,
               sidx, didx, r0, r1, lobuf, acc, g0s, g1s, s0s, s1s):
    c = lax.axis_index("c")
    s = lax.axis_index("s")
    rowsb = (r0, r1)
    gsems = (g0s, g1s)
    ssems = (s0s, s1s)
    pltpu.sync_copy(lo_hbm, lobuf)
    lo = lobuf[...]
    for cc in (0, 1):
        zf = (zf0, zf1)[cc]
        zi = (zi0, zi1)[cc]
        out = (out0, out1)[cc]

        @pl.when(c == cc)
        def _(zf=zf, zi=zi, out=out):
            pltpu.sync_copy(zi.at[pl.ds(s * RPH, RPH)],
                            acc.at[pl.ds(s * RPH, RPH)])

            @pl.when(s == NT - 1)
            def _(zi=zi):
                pltpu.sync_copy(zi.at[pl.ds(HTAIL0, HTAILN)],
                                acc.at[pl.ds(HTAIL0, HTAILN)])

            pltpu.sync_copy(src_r.at[s], sidx)
            pltpu.sync_copy(dst_r.at[s], didx)
            plsc.subcore_barrier()

            def transform(i):
                for u in range(K // 16):
                    d = didx[i, pl.ds(u * 16, 16)]
                    m = (d >= lo) & (d < lo + NH)
                    didx[i, pl.ds(u * 16, 16)] = jnp.where(
                        m, d - lo, DUMMY + (d & 7))

            def start_gather(i, b, zf=zf):
                pltpu.async_copy(zf.at[sidx.at[i]], rowsb[b], gsems[b])

            def wait_gather(i, b, zf=zf):
                pltpu.make_async_copy(zf.at[sidx.at[i]], rowsb[b],
                                      gsems[b]).wait()

            def start_scatter(i, b):
                pltpu.async_copy(rowsb[b], acc.at[didx.at[i]], ssems[b],
                                 add=True)

            def wait_scatter(i, b):
                pltpu.make_async_copy(rowsb[b], acc.at[didx.at[i]],
                                      ssems[b]).wait()

            for b in range(NBUF - 1):
                start_gather(b, b)

            def body(j, _):
                for u in range(NBUF):
                    i = NBUF * j + u
                    b = u
                    transform(i)
                    wait_gather(i, b)
                    start_scatter(i, b)
                    ip = i + NBUF - 1
                    bp = (u + NBUF - 1) % NBUF

                    @pl.when(ip < CH_P)
                    def _(i=i, ip=ip, bp=bp):
                        @pl.when(i >= 1)
                        def _():
                            wait_scatter(i - 1, bp)
                        start_gather(ip, bp)
                return 0
            lax.fori_loop(0, CH_P // NBUF, body, 0)
            for i in range(CH_P - NBUF, CH_P):
                wait_scatter(i, i % NBUF)

            plsc.subcore_barrier()
            pltpu.sync_copy(acc.at[pl.ds(s * RPH, RPH)],
                            out.at[pl.ds(s * RPH, RPH)])

            @pl.when(s == NT - 1)
            def _(out=out):
                pltpu.sync_copy(acc.at[pl.ds(HTAIL0, HTAILN)],
                                out.at[pl.ds(HTAIL0, HTAILN)])


def _prop_call(zf0, zf1, zi0, zi1, lov, src_r, dst_r):
    f = pl.kernel(
        _prop_body,
        out_type=(jax.ShapeDtypeStruct((NH, HH), jnp.float32),
                  jax.ShapeDtypeStruct((NH, HH), jnp.float32)),
        mesh=_sc_mesh(),
        scratch_types=(
            [pltpu.VMEM((CH_P, K), jnp.int32),
             pltpu.VMEM((CH_P, K), jnp.int32)]
            + [pltpu.VMEM((K, HH), jnp.float32) for _ in range(NBUF)]
            + [pltpu.VMEM((16,), jnp.int32),
               pltpu.VMEM_SHARED((NH + 8, HH), jnp.float32)]
            + [pltpu.SemaphoreType.DMA for _ in range(2 * NBUF)]
        ),
    )
    return f(zf0, zf1, zi0, zi1, lov, src_r, dst_r)



def _dinv_of(deg_blk):
    deg = deg_blk[:, 0] + deg_blk[:, 1] + 1.0
    return lax.rsqrt(jnp.maximum(deg, 1e-12))


def _unhalf(o0_ref, o1_ref):
    return jnp.concatenate([o0_ref[...], o1_ref[...]], axis=1)


def _mm0_body(deg_ref, x_ref, w_ref, za_ref, zb_ref):
    dinv = _dinv_of(deg_ref[...])
    z = jnp.dot(x_ref[...], w_ref[...],
                preferred_element_type=jnp.float32) * dinv[:, None]
    za_ref[...] = z[:, :HH]
    zb_ref[...] = z[:, HH:]


def _mm0_call(deg2, x, w):
    return pl.pallas_call(
        _mm0_body,
        grid=(NB,),
        in_specs=[
            pl.BlockSpec((RB, NC), lambda i: (i, 0)),
            pl.BlockSpec((RB, DIN), lambda i: (i, 0)),
            pl.BlockSpec((DIN, H), lambda i: (0, 0)),
        ],
        out_specs=[
            pl.BlockSpec((RB, HH), lambda i: (i, 0)),
            pl.BlockSpec((RB, HH), lambda i: (i, 0)),
        ],
        out_shape=[jax.ShapeDtypeStruct((N, HH), jnp.float32),
                   jax.ShapeDtypeStruct((N, HH), jnp.float32)],
    )(deg2, x, w)


def _half_spec():
    return pl.BlockSpec((RB, HH), lambda i: (i, 0))


def _stats_body(deg_ref, o0_ref, o1_ref, o_ref):
    i = pl.program_id(0)
    dinv = _dinv_of(deg_ref[...])
    t = _unhalf(o0_ref, o1_ref) * dinv[:, None]
    part = jnp.stack([jnp.sum(t, axis=0), jnp.sum(t * t, axis=0)])

    @pl.when(i == 0)
    def _():
        o_ref[...] = part

    @pl.when(i > 0)
    def _():
        o_ref[...] = o_ref[...] + part


def _stats_call(deg2, o0s, o1s):
    return pl.pallas_call(
        _stats_body,
        grid=(NB,),
        in_specs=[
            pl.BlockSpec((RB, NC), lambda i: (i, 0)),
            _half_spec(),
            _half_spec(),
        ],
        out_specs=pl.BlockSpec((2, H), lambda i: (0, 0)),
        out_shape=jax.ShapeDtypeStruct((2, H), jnp.float32),
    )(deg2, o0s, o1s)


def _bnmm_body(deg_ref, o0_ref, o1_ref, stats_ref, g_ref, be_ref, w_ref,
               za_ref, zb_ref, h_ref):
    dinv = _dinv_of(deg_ref[...])
    t = _unhalf(o0_ref, o1_ref) * dinv[:, None]
    mean = stats_ref[0] / float(N)
    var = stats_ref[1] / float(N) - mean * mean
    h = (t - mean) * lax.rsqrt(var + 1e-5) * g_ref[...] + be_ref[...]
    h = jnp.maximum(h, 0.0)
    z = jnp.dot(h, w_ref[...], preferred_element_type=jnp.float32) * dinv[:, None]
    za_ref[...] = z[:, :HH]
    zb_ref[...] = z[:, HH:]
    h_ref[...] = h


def _bnmm_call(deg2, o0s, o1s, stats, g, be, w):
    return pl.pallas_call(
        _bnmm_body,
        grid=(NB,),
        in_specs=[
            pl.BlockSpec((RB, NC), lambda i: (i, 0)),
            _half_spec(),
            _half_spec(),
            pl.BlockSpec((2, H), lambda i: (0, 0)),
            pl.BlockSpec((H,), lambda i: (0,)),
            pl.BlockSpec((H,), lambda i: (0,)),
            pl.BlockSpec((H, H), lambda i: (0, 0)),
        ],
        out_specs=[
            pl.BlockSpec((RB, HH), lambda i: (i, 0)),
            pl.BlockSpec((RB, HH), lambda i: (i, 0)),
            pl.BlockSpec((RB, H), lambda i: (i, 0)),
        ],
        out_shape=[jax.ShapeDtypeStruct((N, HH), jnp.float32),
                   jax.ShapeDtypeStruct((N, HH), jnp.float32),
                   jax.ShapeDtypeStruct((N, H), jnp.float32)],
    )(deg2, o0s, o1s, stats, g, be, w)


def _pool_body(h_ref, bs_ref, bv_ref, zsum_ref, zmax_ref, cnt_ref):
    i = pl.program_id(0)

    @pl.when(i == 0)
    def _():
        zsum_ref[...] = jnp.zeros_like(zsum_ref)
        zmax_ref[...] = jnp.full_like(zmax_ref, -jnp.inf)
        cnt_ref[...] = jnp.zeros_like(cnt_ref)

    h = h_ref[...]
    bv = bv_ref[...]
    glo = bs_ref[0, 0, 0]
    ghi = bs_ref[0, 0, RB - 1]

    def body(gid, _):
        m = bv == gid
        hmax = jnp.max(jnp.where(m, h, -jnp.inf), axis=0)
        hsum = jnp.sum(jnp.where(m, h, 0.0), axis=0)
        cnt = jnp.sum(m.astype(jnp.float32))
        zmax_ref[pl.ds(gid, 1), :] = jnp.maximum(zmax_ref[pl.ds(gid, 1), :],
                                                 hmax[None])
        zsum_ref[pl.ds(gid, 1), :] = zsum_ref[pl.ds(gid, 1), :] + hsum[None]
        cnt_ref[pl.ds(gid, 1), :] = cnt_ref[pl.ds(gid, 1), :] + cnt
        return 0
    lax.fori_loop(glo, ghi + 1, body, 0)


def _pool_call(h, batch2, batchc):
    return pl.pallas_call(
        _pool_body,
        grid=(NB,),
        in_specs=[
            pl.BlockSpec((RB, H), lambda i: (i, 0)),
            pl.BlockSpec((1, 1, RB), lambda i: (i, 0, 0), memory_space=pltpu.SMEM),
            pl.BlockSpec((RB, 1), lambda i: (i, 0)),
        ],
        out_specs=[
            pl.BlockSpec((G, H), lambda i: (0, 0)),
            pl.BlockSpec((G, H), lambda i: (0, 0)),
            pl.BlockSpec((G, 128), lambda i: (0, 0)),
        ],
        out_shape=[jax.ShapeDtypeStruct((G, H), jnp.float32),
                   jax.ShapeDtypeStruct((G, H), jnp.float32),
                   jax.ShapeDtypeStruct((G, 128), jnp.float32)],
    )(h, batch2, batchc)


def _mlp_body(zsum_ref, zmax_ref, cnt_ref, w1_ref, b1_ref, w2_ref, b2_ref,
              o_ref):
    cnt = jnp.maximum(cnt_ref[:, :1], 1.0)
    z = jnp.concatenate([zsum_ref[...] / cnt, zmax_ref[...]], axis=1)
    y = jnp.dot(z, w1_ref[...], preferred_element_type=jnp.float32) + b1_ref[...]
    y = jnp.maximum(y, 0.0)
    o_ref[...] = jnp.dot(y, w2_ref[...],
                         preferred_element_type=jnp.float32) + b2_ref[...]


def _mlp_call(zsum, zmax, cnt, w1, b1, w2, b2):
    return pl.pallas_call(
        _mlp_body,
        out_shape=jax.ShapeDtypeStruct((G, DOUT), jnp.float32),
    )(zsum, zmax, cnt, w1, b1, w2, b2)



def kernel(x, edge_index, batch, W0, b0, g0, be0, W1, b1, g1, be1,
           W2, b2, g2, be2, fc1_W, fc1_b, fc2_W, fc2_b):
    src = edge_index[0]
    dst = edge_index[1]
    dst_deg = dst.reshape(NC, NT, CH_D, K)
    src_r = src.reshape(NT, CH_P, K)
    dst_r = dst.reshape(NT, CH_P, K)
    batch2 = batch.reshape(NB, 1, RB)
    batchc = batch.reshape(N, 1)
    lo_tab = jnp.array([[0] * 16, [NH] * 16], jnp.int32)

    deg2 = _deg_call(dst_deg).T

    za, zb = _mm0_call(deg2, x, W0)

    w_stack = jnp.stack([W1, W2, jnp.eye(H, dtype=jnp.float32)])
    g_stack = jnp.stack([g0, g1, g2])
    be_stack = jnp.stack([be0, be1, be2])

    def _layer(carry, wgb):
        za, zb, _ = carry
        w, g, be = wgb

        def _hprop(_, xs):
            zi0, zi1, lov = xs
            o0, o1 = _prop_call(za, zb, zi0, zi1, lov, src_r, dst_r)
            return 0, (o0, o1)

        _, (o0s, o1s) = lax.scan(
            _hprop, 0,
            (za.reshape(2, NH, HH), zb.reshape(2, NH, HH), lo_tab))
        sa = o0s.reshape(N, HH)
        sb = o1s.reshape(N, HH)
        stats = _stats_call(deg2, sa, sb)
        za2, zb2, h = _bnmm_call(deg2, sa, sb, stats, g, be, w)
        return (za2, zb2, h), None

    zero_h = jnp.zeros((N, H), jnp.float32)
    (_, _, h), _ = lax.scan(
        _layer, (za, zb, zero_h), (w_stack, g_stack, be_stack))

    zsum, zmax, cnt = _pool_call(h, batch2, batchc)
    return _mlp_call(zsum, zmax, cnt, fc1_W, fc1_b, fc2_W, fc2_b)

# --- scband reference (transcript-rebuilt; emitter-appended) ---
"""Pipeline reference for scband-student-module-gnn-42056319762733 (READ-ONLY COPY).

The authoritative reference and input builder live on the scoring server;
editing this copy changes nothing except your own understanding.
"""

import jax, jax.numpy as jnp
import numpy as np

N = 10000
E = 320000
DIN = 128
H = 256
G = 64
DOUT = 4


def setup_inputs(seed: int = 0) -> dict:
    key = jax.random.key(seed)
    ks = jax.random.split(key, 24)
    x = jax.random.normal(ks[0], (N, DIN), dtype=jnp.float32)
    edge_index = jax.random.randint(ks[1], (2, E), 0, N, dtype=jnp.int32)
    batch = jnp.sort(jax.random.randint(ks[2], (N,), 0, G, dtype=jnp.int32))
    def lin(k, din, dout, scale):
        return jax.random.normal(k, (din, dout), dtype=jnp.float32) * scale
    inp = {
        "x": x,
        "edge_index": edge_index,
        "batch": batch,
        "W0": lin(ks[3], DIN, H, (2.0 / (DIN + H)) ** 0.5),
        "b0": jnp.zeros((H,), jnp.float32),
        "g0": jnp.ones((H,), jnp.float32),
        "be0": jnp.zeros((H,), jnp.float32),
        "W1": lin(ks[4], H, H, (2.0 / (H + H)) ** 0.5),
        "b1": jnp.zeros((H,), jnp.float32),
        "g1": jnp.ones((H,), jnp.float32),
        "be1": jnp.zeros((H,), jnp.float32),
        "W2": lin(ks[5], H, H, (2.0 / (H + H)) ** 0.5),
        "b2": jnp.zeros((H,), jnp.float32),
        "g2": jnp.ones((H,), jnp.float32),
        "be2": jnp.zeros((H,), jnp.float32),
        "fc1_W": lin(ks[6], 2 * H, H, (2.0 / (3 * H)) ** 0.5),
        "fc1_b": jnp.zeros((H,), jnp.float32),
        "fc2_W": lin(ks[7], H, DOUT, (2.0 / (H + DOUT)) ** 0.5),
        "fc2_b": jnp.zeros((DOUT,), jnp.float32),
    }
    return inp


def _gcn_forward(x, src, dst, norm, params):
    h = x
    for (W, b, g, be) in params:
        h = h @ W
        msg = h[src] * norm[:, None]
        h = jax.ops.segment_sum(msg, dst, num_segments=N) + b
        mean = jnp.mean(h, axis=0)
        var = jnp.var(h, axis=0)
        h = (h - mean) / jnp.sqrt(var + 1e-5) * g + be
        h = jax.nn.relu(h)
    return h


def reference(x, edge_index, batch, W0, b0, g0, be0, W1, b1, g1, be1, W2, b2, g2, be2, fc1_W, fc1_b, fc2_W, fc2_b):
    # GCN normalization with self-loops: norm = deg^-1/2[src] * deg^-1/2[dst]
    loop = jnp.arange(N, dtype=edge_index.dtype)
    src = jnp.concatenate([edge_index[0], loop])
    dst = jnp.concatenate([edge_index[1], loop])
    deg = jax.ops.segment_sum(jnp.ones(src.shape[0], jnp.float32), dst, num_segments=N)
    dinv = jax.lax.rsqrt(jnp.maximum(deg, 1e-12))
    norm = dinv[src] * dinv[dst]
    params = [(W0, b0, g0, be0), (W1, b1, g1, be1), (W2, b2, g2, be2)]
    h = _gcn_forward(x, src, dst, norm, params)
    # global mean / max pool over graphs
    counts = jax.ops.segment_sum(jnp.ones(N, jnp.float32), batch, num_segments=G)
    x_mean = jax.ops.segment_sum(h, batch, num_segments=G) / jnp.maximum(counts, 1.0)[:, None]
    x_max = jax.ops.segment_max(h, batch, num_segments=G)
    z = jnp.concatenate([x_mean, x_max], axis=1)
    z = jax.nn.relu(z @ fc1_W + fc1_b)
    out = z @ fc2_W + fc2_b
    return out


if False:  # reference __main__ guard neutralized (emitter)
    out = reference(**setup_inputs())
    print(out.shape)

if __name__ == "__main__":
    import jax
    _d = setup_inputs()
    print(jax.jit(kernel)(*tuple(_d.values())))

</pallas_src>

<mosaic_0001>
#map = affine_map<(d0, d1) -> (0, 0, 0, 0)>
#map1 = affine_map<(d0, d1) -> (0, 0)>
module attributes {stable_mosaic.version = 14 : i64} {
  func.func @_deg_body(%arg0: i32, %arg1: i32, %arg2: memref<2x16x125x80xi32, #tpu.memory_space<hbm>>, %arg3: memref<2x10240xf32, #tpu.memory_space<hbm>>, %arg4: memref<125x80xi32, #tpu.memory_space<vmem>>, %arg5: memref<80xf32, #tpu.memory_space<vmem>>, %arg6: memref<640xf32, #tpu.memory_space<vmem>>, %arg7: memref<10240xf32, #tpu.memory_space<vmem_shared>>) attributes {dimension_semantics = [#tpu.dimension_semantics<core_parallel>, #tpu.dimension_semantics<subcore_parallel>], iteration_bounds = array<i64: 2, 16>, scalar_prefetch = 0 : i64, scratch_operands = 4 : i64, tpu.core_type = #tpu.core_type<sc_vector_subcore>, window_params = [{transform_indices = #map}, {transform_indices = #map1}]} {
    %scan3A = arith.constant 0 : i32
    %scan3A_0 = arith.constant 0 : i32
    %scan3A_1 = arith.constant 40 : i32
    %scan3A_2 = arith.addi %scan3A_0, %scan3A_1 : i32
    %scan3A_3 = arith.constant 1 : i32
    %scan3A_4 = scf.for %scan3A_26 = %scan3A_0 to %scan3A_2 step %scan3A_3 iter_args(%scan3A_27 = %scan3A) -> (i32)  : i32 {
      %broadcast_in_dim3A = arith.constant 0.000000e+00 : f32
      %broadcast_in_dim3A_28 = vector.broadcast %broadcast_in_dim3A : f32 to vector<16xf32>
      %mul3A_29 = arith.constant 16 : i32
      %mul3A_30 = arith.muli %scan3A_26, %mul3A_29 : i32
      %swap3A = arith.index_cast %mul3A_30 : i32 to index
      %swap3A_31 = tpu.vector_load %arg6[%swap3A] {strides = array<i32>} : memref<640xf32, #tpu.memory_space<vmem>>, vector<16xf32>,
      %swap3A_32 = vector.shape_cast %swap3A_31 : vector<16xf32> to vector<16xf32>
      %swap3A_33 = vector.shape_cast %broadcast_in_dim3A_28 : vector<16xf32> to vector<16xf32>
      tpu.vector_store %arg6[%swap3A], %swap3A_33 {strides = array<i32>} : memref<640xf32, #tpu.memory_space<vmem>>, vector<16xf32>,
      %scan3A_34 = arith.constant 0 : i32
      scf.yield %scan3A_34 : i32
    }
    %scan3A_5 = arith.constant 40 : i32
    %scan3A_6 = arith.constant 0 : i32
    %scan3A_7 = arith.constant 0 : i32
    %scan3A_8 = arith.constant 5 : i32
    %scan3A_9 = arith.addi %scan3A_7, %scan3A_8 : i32
    %scan3A_10 = arith.constant 1 : i32
    %scan3A_11 = scf.for %scan3A_26 = %scan3A_7 to %scan3A_9 step %scan3A_10 iter_args(%scan3A_27 = %scan3A_6) -> (i32)  : i32 {
      %broadcast_in_dim3A = arith.constant 1.000000e+00 : f32
      %broadcast_in_dim3A_28 = vector.broadcast %broadcast_in_dim3A : f32 to vector<16xf32>
      %mul3A_29 = arith.constant 16 : i32
      %mul3A_30 = arith.muli %scan3A_26, %mul3A_29 : i32
      %swap3A = arith.index_cast %mul3A_30 : i32 to index
      %swap3A_31 = tpu.vector_load %arg5[%swap3A] {strides = array<i32>} : memref<80xf32, #tpu.memory_space<vmem>>, vector<16xf32>,
      %swap3A_32 = vector.shape_cast %swap3A_31 : vector<16xf32> to vector<16xf32>
      %swap3A_33 = vector.shape_cast %broadcast_in_dim3A_28 : vector<16xf32> to vector<16xf32>
      tpu.vector_store %arg5[%swap3A], %swap3A_33 {strides = array<i32>} : memref<80xf32, #tpu.memory_space<vmem>>, vector<16xf32>,
      %scan3A_34 = arith.constant 0 : i32
      scf.yield %scan3A_34 : i32
    }
    %scan3A_12 = arith.constant 5 : i32
    %mul3A = arith.constant 640 : i32
    %mul3A_13 = arith.muli %arg1, %mul3A : i32
    "tpu.region"() ({
      %run_scoped3A = tpu.sem_alloc : memref<!tpu.dma_semaphore, #tpu.memory_space<semaphore_mem>>
      %dma_start3A = tpu.memref_slice %arg7[%mul3A_13] : memref<10240xf32, #tpu.memory_space<vmem_shared>> -> memref<640xf32, #tpu.memory_space<vmem_shared>>
      %dma_start3A_26 = tpu.memref_slice %arg7[%mul3A_13] : memref<10240xf32, #tpu.memory_space<vmem_shared>> -> memref<640xf32, #tpu.memory_space<vmem_shared>>
      tpu.enqueue_dma source(%arg6 : memref<640xf32, #tpu.memory_space<vmem>>) target(%dma_start3A_26 : memref<640xf32, #tpu.memory_space<vmem_shared>>) target_semaphore(%run_scoped3A : memref<!tpu.dma_semaphore, #tpu.memory_space<semaphore_mem>>)
      %dma_wait3A = tpu.memref_slice %arg7[%mul3A_13] : memref<10240xf32, #tpu.memory_space<vmem_shared>> -> memref<640xf32, #tpu.memory_space<vmem_shared>>
      %dma_wait3A_27 = tpu.memref_slice %arg7[%mul3A_13] : memref<10240xf32, #tpu.memory_space<vmem_shared>> -> memref<640xf32, #tpu.memory_space<vmem_shared>>
      tpu.wait_dma2 semaphore(%run_scoped3A : memref<!tpu.dma_semaphore, #tpu.memory_space<semaphore_mem>>) src(%arg6 : memref<640xf32, #tpu.memory_space<vmem>>) dst(%dma_wait3A_27 : memref<640xf32, #tpu.memory_space<vmem_shared>>)
      tpu.yield
    }) : () -> ()
    "tpu.region"() ({
      %run_scoped3A = tpu.sem_alloc : memref<!tpu.dma_semaphore, #tpu.memory_space<semaphore_mem>>
      %dma_start3A = arith.constant 0 : i32
      %dma_start3A_26 = arith.constant 0 : i32
      %dma_start3A_27 = tpu.memref_slice %arg2[%arg0, %arg1, %dma_start3A, %dma_start3A_26] : memref<2x16x125x80xi32, #tpu.memory_space<hbm>> -> memref<1x1x125x80xi32, #tpu.memory_space<hbm>>
      %dma_start3A_28 = tpu.memref_squeeze %dma_start3A_27 : memref<1x1x125x80xi32, #tpu.memory_space<hbm>> -> memref<125x80xi32, #tpu.memory_space<hbm>>
      %dma_start3A_29 = arith.constant 0 : i32
      %dma_start3A_30 = arith.constant 0 : i32
      %dma_start3A_31 = tpu.memref_slice %arg2[%arg0, %arg1, %dma_start3A_29, %dma_start3A_30] : memref<2x16x125x80xi32, #tpu.memory_space<hbm>> -> memref<1x1x125x80xi32, #tpu.memory_space<hbm>>
      %dma_start3A_32 = tpu.memref_squeeze %dma_start3A_31 : memref<1x1x125x80xi32, #tpu.memory_space<hbm>> -> memref<125x80xi32, #tpu.memory_space<hbm>>
      tpu.enqueue_dma source(%dma_start3A_32 : memref<125x80xi32, #tpu.memory_space<hbm>>) target(%arg4 : memref<125x80xi32, #tpu.memory_space<vmem>>) target_semaphore(%run_scoped3A : memref<!tpu.dma_semaphore, #tpu.memory_space<semaphore_mem>>)
      %dma_wait3A = arith.constant 0 : i32
      %dma_wait3A_33 = arith.constant 0 : i32
      %dma_wait3A_34 = tpu.memref_slice %arg2[%arg0, %arg1, %dma_wait3A, %dma_wait3A_33] : memref<2x16x125x80xi32, #tpu.memory_space<hbm>> -> memref<1x1x125x80xi32, #tpu.memory_space<hbm>>
      %dma_wait3A_35 = tpu.memref_squeeze %dma_wait3A_34 : memref<1x1x125x80xi32, #tpu.memory_space<hbm>> -> memref<125x80xi32, #tpu.memory_space<hbm>>
      %dma_wait3A_36 = arith.constant 0 : i32
      %dma_wait3A_37 = arith.constant 0 : i32
      %dma_wait3A_38 = tpu.memref_slice %arg2[%arg0, %arg1, %dma_wait3A_36, %dma_wait3A_37] : memref<2x16x125x80xi32, #tpu.memory_space<hbm>> -> memref<1x1x125x80xi32, #tpu.memory_space<hbm>>
      %dma_wait3A_39 = tpu.memref_squeeze %dma_wait3A_38 : memref<1x1x125x80xi32, #tpu.memory_space<hbm>> -> memref<125x80xi32, #tpu.memory_space<hbm>>
      tpu.wait_dma2 semaphore(%run_scoped3A : memref<!tpu.dma_semaphore, #tpu.memory_space<semaphore_mem>>) src(%dma_wait3A_39 : memref<125x80xi32, #tpu.memory_space<hbm>>) dst(%arg4 : memref<125x80xi32, #tpu.memory_space<vmem>>)
      tpu.yield
    }) : () -> ()
    %barrier3A = arith.constant 0 : index
    tpu.barrier barrier_id(%barrier3A)
    %scan3A_14 = arith.constant 0 : i32
    %scan3A_15 = arith.constant 0 : i32
    %scan3A_16 = arith.constant 125 : i32
    %scan3A_17 = arith.addi %scan3A_15, %scan3A_16 : i32
    %scan3A_18 = arith.constant 1 : i32
    %scan3A_19 = scf.for %scan3A_26 = %scan3A_15 to %scan3A_17 step %scan3A_18 iter_args(%scan3A_27 = %scan3A_14) -> (i32)  : i32 {
      "tpu.region"() ({
        %run_scoped3A = tpu.sem_alloc : memref<!tpu.dma_semaphore, #tpu.memory_space<semaphore_mem>>
        %dma_start3A = arith.constant 0 : i32
        %dma_start3A_29 = tpu.memref_slice %arg4[%scan3A_26, %dma_start3A] : memref<125x80xi32, #tpu.memory_space<vmem>> -> memref<1x80xi32, #tpu.memory_space<vmem>>
        %dma_start3A_30 = tpu.memref_squeeze %dma_start3A_29 : memref<1x80xi32, #tpu.memory_space<vmem>> -> memref<80xi32, #tpu.memory_space<vmem>>
        %dma_start3A_31 = arith.constant 0 : i32
        %dma_start3A_32 = tpu.memref_slice %arg7[%dma_start3A_31] : memref<10240xf32, #tpu.memory_space<vmem_shared>> -> memref<10240xf32, #tpu.memory_space<vmem_shared>>
        tpu.enqueue_indirect_dma source(%arg5 : memref<80xf32, #tpu.memory_space<vmem>>) target(%dma_start3A_32 : memref<10240xf32, #tpu.memory_space<vmem_shared>>) offsets(%dma_start3A_30 : memref<80xi32, #tpu.memory_space<vmem>>) semaphore(%run_scoped3A : memref<!tpu.dma_semaphore, #tpu.memory_space<semaphore_mem>>) {add = true}
        %dma_wait3A = arith.constant 0 : i32
        %dma_wait3A_33 = tpu.memref_slice %arg4[%scan3A_26, %dma_wait3A] : memref<125x80xi32, #tpu.memory_space<vmem>> -> memref<1x80xi32, #tpu.memory_space<vmem>>
        %dma_wait3A_34 = tpu.memref_squeeze %dma_wait3A_33 : memref<1x80xi32, #tpu.memory_space<vmem>> -> memref<80xi32, #tpu.memory_space<vmem>>
        %dma_wait3A_35 = arith.constant 0 : i32
        %dma_wait3A_36 = tpu.memref_slice %arg7[%dma_wait3A_35] : memref<10240xf32, #tpu.memory_space<vmem_shared>> -> memref<10240xf32, #tpu.memory_space<vmem_shared>>
        tpu.wait_indirect_dma semaphore(%run_scoped3A : memref<!tpu.dma_semaphore, #tpu.memory_space<semaphore_mem>>) src(%arg5 : memref<80xf32, #tpu.memory_space<vmem>>) dst(%dma_wait3A_36 : memref<10240xf32, #tpu.memory_space<vmem_shared>>)
        tpu.yield
      }) : () -> ()
      %scan3A_28 = arith.constant 0 : i32
      scf.yield %scan3A_28 : i32
    }
    %scan3A_20 = arith.constant 125 : i32
    %barrier3A_21 = arith.constant 0 : index
    tpu.barrier barrier_id(%barrier3A_21)
    %mul3A_22 = arith.constant 640 : i32
    %mul3A_23 = arith.muli %arg1, %mul3A_22 : i32
    %mul3A_24 = arith.constant 640 : i32
    %mul3A_25 = arith.muli %arg1, %mul3A_24 : i32
    "tpu.region"() ({
      %run_scoped3A = tpu.sem_alloc : memref<!tpu.dma_semaphore, #tpu.memory_space<semaphore_mem>>
      %dma_start3A = tpu.memref_slice %arg3[%arg0, %mul3A_25] : memref<2x10240xf32, #tpu.memory_space<hbm>> -> memref<1x640xf32, #tpu.memory_space<hbm>>
      %dma_start3A_26 = tpu.memref_squeeze %dma_start3A : memref<1x640xf32, #tpu.memory_space<hbm>> -> memref<640xf32, #tpu.memory_space<hbm>>
      %dma_start3A_27 = tpu.memref_slice %arg7[%mul3A_23] : memref<10240xf32, #tpu.memory_space<vmem_shared>> -> memref<640xf32, #tpu.memory_space<vmem_shared>>
      tpu.enqueue_dma source(%dma_start3A_27 : memref<640xf32, #tpu.memory_space<vmem_shared>>) target(%dma_start3A_26 : memref<640xf32, #tpu.memory_space<hbm>>) target_semaphore(%run_scoped3A : memref<!tpu.dma_semaphore, #tpu.memory_space<semaphore_mem>>)
      %dma_wait3A = tpu.memref_slice %arg3[%arg0, %mul3A_25] : memref<2x10240xf32, #tpu.memory_space<hbm>> -> memref<1x640xf32, #tpu.memory_space<hbm>>
      %dma_wait3A_28 = tpu.memref_squeeze %dma_wait3A : memref<1x640xf32, #tpu.memory_space<hbm>> -> memref<640xf32, #tpu.memory_space<hbm>>
      %dma_wait3A_29 = tpu.memref_slice %arg7[%mul3A_23] : memref<10240xf32, #tpu.memory_space<vmem_shared>> -> memref<640xf32, #tpu.memory_space<vmem_shared>>
      tpu.wait_dma2 semaphore(%run_scoped3A : memref<!tpu.dma_semaphore, #tpu.memory_space<semaphore_mem>>) src(%dma_wait3A_29 : memref<640xf32, #tpu.memory_space<vmem_shared>>) dst(%dma_wait3A_28 : memref<640xf32, #tpu.memory_space<hbm>>)
      tpu.yield
    }) : () -> ()
    return
  }
}

#map = affine_map<(d0, d1) -> (0, 0)>
#map1 = affine_map<(d0, d1) -> (0)>
#map2 = affine_map<(d0, d1) -> (0, 0, 0)>
module attributes {stable_mosaic.version = 14 : i64} {
  func.func @_prop_body(%arg0: i32, %arg1: i32, %arg2: memref<10000x128xf32, #tpu.memory_space<hbm>>, %arg3: memref<10000x128xf32, #tpu.memory_space<hbm>>, %arg4: memref<5000x128xf32, #tpu.memory_space<hbm>>, %arg5: memref<5000x128xf32, #tpu.memory_space<hbm>>, %arg6: memref<16xi32, #tpu.memory_space<hbm>>, %arg7: memref<16x250x80xi32, #tpu.memory_space<hbm>>, %arg8: memref<16x250x80xi32, #tpu.memory_space<hbm>>, %arg9: memref<5000x128xf32, #tpu.memory_space<hbm>>, %arg10: memref<5000x128xf32, #tpu.memory_space<hbm>>, %arg11: memref<250x80xi32, #tpu.memory_space<vmem>>, %arg12: memref<250x80xi32, #tpu.memory_space<vmem>>, %arg13: memref<80x128xf32, #tpu.memory_space<vmem>>, %arg14: memref<80x128xf32, #tpu.memory_space<vmem>>, %arg15: memref<16xi32, #tpu.memory_space<vmem>>, %arg16: memref<5008x128xf32, #tpu.memory_space<vmem_shared>>, %arg17: memref<!tpu.dma_semaphore, #tpu.memory_space<semaphore_mem>>, %arg18: memref<!tpu.dma_semaphore, #tpu.memory_space<semaphore_mem>>, %arg19: memref<!tpu.dma_semaphore, #tpu.memory_space<semaphore_mem>>, %arg20: memref<!tpu.dma_semaphore, #tpu.memory_space<semaphore_mem>>) attributes {dimension_semantics = [#tpu.dimension_semantics<core_parallel>, #tpu.dimension_semantics<subcore_parallel>], iteration_bounds = array<i64: 2, 16>, scalar_prefetch = 0 : i64, scratch_operands = 10 : i64, tpu.core_type = #tpu.core_type<sc_vector_subcore>, window_params = [{transform_indices = #map}, {transform_indices = #map}, {transform_indices = #map}, {transform_indices = #map}, {transform_indices = #map1}, {transform_indices = #map2}, {transform_indices = #map2}, {transform_indices = #map}, {transform_indices = #map}]} {
    "tpu.region"() ({
      %run_scoped3A = tpu.sem_alloc : memref<!tpu.dma_semaphore, #tpu.memory_space<semaphore_mem>>
      tpu.enqueue_dma source(%arg6 : memref<16xi32, #tpu.memory_space<hbm>>) target(%arg15 : memref<16xi32, #tpu.memory_space<vmem>>) target_semaphore(%run_scoped3A : memref<!tpu.dma_semaphore, #tpu.memory_space<semaphore_mem>>)
      tpu.wait_dma2 semaphore(%run_scoped3A : memref<!tpu.dma_semaphore, #tpu.memory_space<semaphore_mem>>) src(%arg6 : memref<16xi32, #tpu.memory_space<hbm>>) dst(%arg15 : memref<16xi32, #tpu.memory_space<vmem>>)
      tpu.yield
    }) : () -> ()
    %get3A = arith.constant 0 : index
    %get3A_0 = tpu.vector_load %arg15[%get3A] {strides = array<i32>} : memref<16xi32, #tpu.memory_space<vmem>>, vector<16xi32>,
    %get3A_1 = vector.shape_cast %get3A_0 : vector<16xi32> to vector<16xi32>
    %eq3A = arith.constant 0 : i32
    %eq3A_2 = arith.cmpi eq, %arg0, %eq3A : i32
    %convert_element_type3A = arith.extui %eq3A_2 : i1 to i32
    %cond3A = arith.constant 0 : i32
    %cond3A_3 = arith.cmpi ne, %convert_element_type3A, %cond3A : i32
    scf.if %cond3A_3 {
      %mul3A = arith.constant 312 : i32
      %mul3A_9 = arith.muli %arg1, %mul3A : i32
      %mul3A_10 = arith.constant 312 : i32
      %mul3A_11 = arith.muli %arg1, %mul3A_10 : i32
      "tpu.region"() ({
        %run_scoped3A = tpu.sem_alloc : memref<!tpu.dma_semaphore, #tpu.memory_space<semaphore_mem>>
        %dma_start3A_52 = arith.constant 0 : i32
        %dma_start3A_53 = tpu.memref_slice %arg16[%mul3A_11, %dma_start3A_52] : memref<5008x128xf32, #tpu.memory_space<vmem_shared>> -> memref<312x128xf32, #tpu.memory_space<vmem_shared>>
        %dma_start3A_54 = arith.constant 0 : i32
        %dma_start3A_55 = tpu.memref_slice %arg4[%mul3A_9, %dma_start3A_54] : memref<5000x128xf32, #tpu.memory_space<hbm>> -> memref<312x128xf32, #tpu.memory_space<hbm>>
        tpu.enqueue_dma source(%dma_start3A_55 : memref<312x128xf32, #tpu.memory_space<hbm>>) target(%dma_start3A_53 : memref<312x128xf32, #tpu.memory_space<vmem_shared>>) target_semaphore(%run_scoped3A : memref<!tpu.dma_semaphore, #tpu.memory_space<semaphore_mem>>)
        %dma_wait3A_56 = arith.constant 0 : i32
        %dma_wait3A_57 = tpu.memref_slice %arg16[%mul3A_11, %dma_wait3A_56] : memref<5008x128xf32, #tpu.memory_space<vmem_shared>> -> memref<312x128xf32, #tpu.memory_space<vmem_shared>>
        %dma_wait3A_58 = arith.constant 0 : i32
        %dma_wait3A_59 = tpu.memref_slice %arg4[%mul3A_9, %dma_wait3A_58] : memref<5000x128xf32, #tpu.memory_space<hbm>> -> memref<312x128xf32, #tpu.memory_space<hbm>>
        tpu.wait_dma2 semaphore(%run_scoped3A : memref<!tpu.dma_semaphore, #tpu.memory_space<semaphore_mem>>) src(%dma_wait3A_59 : memref<312x128xf32, #tpu.memory_space<hbm>>) dst(%dma_wait3A_57 : memref<312x128xf32, #tpu.memory_space<vmem_shared>>)
        tpu.yield
      }) : () -> ()
      %eq3A_12 = arith.constant 15 : i32
      %eq3A_13 = arith.cmpi eq, %arg1, %eq3A_12 : i32
      %convert_element_type3A_14 = arith.extui %eq3A_13 : i1 to i32
      %cond3A_15 = arith.constant 0 : i32
      %cond3A_16 = arith.cmpi ne, %convert_element_type3A_14, %cond3A_15 : i32
      scf.if %cond3A_16 {
        "tpu.region"() ({
          %run_scoped3A = tpu.sem_alloc : memref<!tpu.dma_semaphore, #tpu.memory_space<semaphore_mem>>
          %dma_start3A_52 = arith.constant 4992 : i32
          %dma_start3A_53 = arith.constant 0 : i32
          %dma_start3A_54 = tpu.memref_slice %arg16[%dma_start3A_52, %dma_start3A_53] : memref<5008x128xf32, #tpu.memory_space<vmem_shared>> -> memref<8x128xf32, #tpu.memory_space<vmem_shared>>
          %dma_start3A_55 = arith.constant 4992 : i32
          %dma_start3A_56 = arith.constant 0 : i32
          %dma_start3A_57 = tpu.memref_slice %arg4[%dma_start3A_55, %dma_start3A_56] : memref<5000x128xf32, #tpu.memory_space<hbm>> -> memref<8x128xf32, #tpu.memory_space<hbm>>
          tpu.enqueue_dma source(%dma_start3A_57 : memref<8x128xf32, #tpu.memory_space<hbm>>) target(%dma_start3A_54 : memref<8x128xf32, #tpu.memory_space<vmem_shared>>) target_semaphore(%run_scoped3A : memref<!tpu.dma_semaphore, #tpu.memory_space<semaphore_mem>>)
          %dma_wait3A_58 = arith.constant 4992 : i32
          %dma_wait3A_59 = arith.constant 0 : i32
          %dma_wait3A_60 = tpu.memref_slice %arg16[%dma_wait3A_58, %dma_wait3A_59] : memref<5008x128xf32, #tpu.memory_space<vmem_shared>> -> memref<8x128xf32, #tpu.memory_space<vmem_shared>>
          %dma_wait3A_61 = arith.constant 4992 : i32
          %dma_wait3A_62 = arith.constant 0 : i32
          %dma_wait3A_63 = tpu.memref_slice %arg4[%dma_wait3A_61, %dma_wait3A_62] : memref<5000x128xf32, #tpu.memory_space<hbm>> -> memref<8x128xf32, #tpu.memory_space<hbm>>
          tpu.wait_dma2 semaphore(%run_scoped3A : memref<!tpu.dma_semaphore, #tpu.memory_space<semaphore_mem>>) src(%dma_wait3A_63 : memref<8x128xf32, #tpu.memory_space<hbm>>) dst(%dma_wait3A_60 : memref<8x128xf32, #tpu.memory_space<vmem_shared>>)
          tpu.yield
        }) : () -> ()
      } else {
      }
      "tpu.region"() ({
        %run_scoped3A = tpu.sem_alloc : memref<!tpu.dma_semaphore, #tpu.memory_space<semaphore_mem>>
        %dma_start3A_52 = arith.constant 0 : i32
        %dma_start3A_53 = arith.constant 0 : i32
        %dma_start3A_54 = tpu.memref_slice %arg7[%arg1, %dma_start3A_52, %dma_start3A_53] : memref<16x250x80xi32, #tpu.memory_space<hbm>> -> memref<1x250x80xi32, #tpu.memory_space<hbm>>
        %dma_start3A_55 = tpu.memref_squeeze %dma_start3A_54 : memref<1x250x80xi32, #tpu.memory_space<hbm>> -> memref<250x80xi32, #tpu.memory_space<hbm>>
        %dma_start3A_56 = arith.constant 0 : i32
        %dma_start3A_57 = arith.constant 0 : i32
        %dma_start3A_58 = tpu.memref_slice %arg7[%arg1, %dma_start3A_56, %dma_start3A_57] : memref<16x250x80xi32, #tpu.memory_space<hbm>> -> memref<1x250x80xi32, #tpu.memory_space<hbm>>
        %dma_start3A_59 = tpu.memref_squeeze %dma_start3A_58 : memref<1x250x80xi32, #tpu.memory_space<hbm>> -> memref<250x80xi32, #tpu.memory_space<hbm>>
        tpu.enqueue_dma source(%dma_start3A_59 : memref<250x80xi32, #tpu.memory_space<hbm>>) target(%arg11 : memref<250x80xi32, #tpu.memory_space<vmem>>) target_semaphore(%run_scoped3A : memref<!tpu.dma_semaphore, #tpu.memory_space<semaphore_mem>>)
        %dma_wait3A_60 = arith.constant 0 : i32
        %dma_wait3A_61 = arith.constant 0 : i32
        %dma_wait3A_62 = tpu.memref_slice %arg7[%arg1, %dma_wait3A_60, %dma_wait3A_61] : memref<16x250x80xi32, #tpu.memory_space<hbm>> -> memref<1x250x80xi32, #tpu.memory_space<hbm>>
        %dma_wait3A_63 = tpu.memref_squeeze %dma_wait3A_62 : memref<1x250x80xi32, #tpu.memory_space<hbm>> -> memref<250x80xi32, #tpu.memory_space<hbm>>
        %dma_wait3A_64 = arith.constant 0 : i32
        %dma_wait3A_65 = arith.constant 0 : i32
        %dma_wait3A_66 = tpu.memref_slice %arg7[%arg1, %dma_wait3A_64, %dma_wait3A_65] : memref<16x250x80xi32, #tpu.memory_space<hbm>> -> memref<1x250x80xi32, #tpu.memory_space<hbm>>
        %dma_wait3A_67 = tpu.memref_squeeze %dma_wait3A_66 : memref<1x250x80xi32, #tpu.memory_space<hbm>> -> memref<250x80xi32, #tpu.memory_space<hbm>>
        tpu.wait_dma2 semaphore(%run_scoped3A : memref<!tpu.dma_semaphore, #tpu.memory_space<semaphore_mem>>) src(%dma_wait3A_67 : memref<250x80xi32, #tpu.memory_space<hbm>>) dst(%arg11 : memref<250x80xi32, #tpu.memory_space<vmem>>)
        tpu.yield
      }) : () -> ()
      "tpu.region"() ({
        %run_scoped3A = tpu.sem_alloc : memref<!tpu.dma_semaphore, #tpu.memory_space<semaphore_mem>>
        %dma_start3A_52 = arith.constant 0 : i32
        %dma_start3A_53 = arith.constant 0 : i32
        %dma_start3A_54 = tpu.memref_slice %arg8[%arg1, %dma_start3A_52, %dma_start3A_53] : memref<16x250x80xi32, #tpu.memory_space<hbm>> -> memref<1x250x80xi32, #tpu.memory_space<hbm>>
        %dma_start3A_55 = tpu.memref_squeeze %dma_start3A_54 : memref<1x250x80xi32, #tpu.memory_space<hbm>> -> memref<250x80xi32, #tpu.memory_space<hbm>>
        %dma_start3A_56 = arith.constant 0 : i32
        %dma_start3A_57 = arith.constant 0 : i32
        %dma_start3A_58 = tpu.memref_slice %arg8[%arg1, %dma_start3A_56, %dma_start3A_57] : memref<16x250x80xi32, #tpu.memory_space<hbm>> -> memref<1x250x80xi32, #tpu.memory_space<hbm>>
        %dma_start3A_59 = tpu.memref_squeeze %dma_start3A_58 : memref<1x250x80xi32, #tpu.memory_space<hbm>> -> memref<250x80xi32, #tpu.memory_space<hbm>>
        tpu.enqueue_dma source(%dma_start3A_59 : memref<250x80xi32, #tpu.memory_space<hbm>>) target(%arg12 : memref<250x80xi32, #tpu.memory_space<vmem>>) target_semaphore(%run_scoped3A : memref<!tpu.dma_semaphore, #tpu.memory_space<semaphore_mem>>)
        %dma_wait3A_60 = arith.constant 0 : i32
        %dma_wait3A_61 = arith.constant 0 : i32
        %dma_wait3A_62 = tpu.memref_slice %arg8[%arg1, %dma_wait3A_60, %dma_wait3A_61] : memref<16x250x80xi32, #tpu.memory_space<hbm>> -> memref<1x250x80xi32, #tpu.memory_space<hbm>>
        %dma_wait3A_63 = tpu.memref_squeeze %dma_wait3A_62 : memref<1x250x80xi32, #tpu.memory_space<hbm>> -> memref<250x80xi32, #tpu.memory_space<hbm>>
        %dma_wait3A_64 = arith.constant 0 : i32
        %dma_wait3A_65 = arith.constant 0 : i32
        %dma_wait3A_66 = tpu.memref_slice %arg8[%arg1, %dma_wait3A_64, %dma_wait3A_65] : memref<16x250x80xi32, #tpu.memory_space<hbm>> -> memref<1x250x80xi32, #tpu.memory_space<hbm>>
        %dma_wait3A_67 = tpu.memref_squeeze %dma_wait3A_66 : memref<1x250x80xi32, #tpu.memory_space<hbm>> -> memref<250x80xi32, #tpu.memory_space<hbm>>
        tpu.wait_dma2 semaphore(%run_scoped3A : memref<!tpu.dma_semaphore, #tpu.memory_space<semaphore_mem>>) src(%dma_wait3A_67 : memref<250x80xi32, #tpu.memory_space<hbm>>) dst(%arg12 : memref<250x80xi32, #tpu.memory_space<vmem>>)
        tpu.yield
      }) : () -> ()
      %barrier3A = arith.constant 0 : index
      tpu.barrier barrier_id(%barrier3A)
      %dma_start3A = arith.constant 0 : i32
      %dma_start3A_17 = arith.constant 0 : i32
      %dma_start3A_18 = tpu.memref_slice %arg11[%dma_start3A, %dma_start3A_17] : memref<250x80xi32, #tpu.memory_space<vmem>> -> memref<1x80xi32, #tpu.memory_space<vmem>>
      %dma_start3A_19 = tpu.memref_squeeze %dma_start3A_18 : memref<1x80xi32, #tpu.memory_space<vmem>> -> memref<80xi32, #tpu.memory_space<vmem>>
      %dma_start3A_20 = arith.constant 0 : i32
      %dma_start3A_21 = arith.constant 0 : i32
      %dma_start3A_22 = tpu.memref_slice %arg2[%dma_start3A_20, %dma_start3A_21] : memref<10000x128xf32, #tpu.memory_space<hbm>> -> memref<10000x128xf32, #tpu.memory_space<hbm>>
      tpu.enqueue_indirect_dma source(%dma_start3A_22 : memref<10000x128xf32, #tpu.memory_space<hbm>>) target(%arg13 : memref<80x128xf32, #tpu.memory_space<vmem>>) offsets(%dma_start3A_19 : memref<80xi32, #tpu.memory_space<vmem>>) semaphore(%arg17 : memref<!tpu.dma_semaphore, #tpu.memory_space<semaphore_mem>>)
      %scan3A = arith.constant 0 : i32
      %scan3A_23 = arith.constant 0 : i32
      %scan3A_24 = arith.constant 125 : i32
      %scan3A_25 = arith.addi %scan3A_23, %scan3A_24 : i32
      %scan3A_26 = arith.constant 1 : i32
      %scan3A_27 = scf.for %scan3A_52 = %scan3A_23 to %scan3A_25 step %scan3A_26 iter_args(%scan3A_53 = %scan3A) -> (i32)  : i32 {
        %mul3A_54 = arith.constant 2 : i32
        %mul3A_55 = arith.muli %mul3A_54, %scan3A_52 : i32
        %add3A = arith.constant 0 : i32
        %add3A_56 = arith.addi %mul3A_55, %add3A : i32
        %get3A_57 = arith.index_cast %add3A_56 : i32 to index
        %get3A_58 = arith.constant 0 : index
        %get3A_59 = tpu.vector_load %arg12[%get3A_57, %get3A_58] {strides = array<i32>} : memref<250x80xi32, #tpu.memory_space<vmem>>, vector<1x16xi32>,
        %get3A_60 = vector.shape_cast %get3A_59 : vector<1x16xi32> to vector<16xi32>
        %ge3A = arith.cmpi sge, %get3A_60, %get3A_1 : vector<16xi32>
        %add3A_61 = arith.constant 5000 : i32
        %add3A_62 = vector.broadcast %add3A_61 : i32 to vector<16xi32>
        %add3A_63 = arith.addi %get3A_1, %add3A_62 : vector<16xi32>
        %lt3A = arith.cmpi slt, %get3A_60, %add3A_63 : vector<16xi32>
        %and3A = arith.andi %ge3A, %lt3A : vector<16xi1>
        %sub3A = arith.subi %get3A_60, %get3A_1 : vector<16xi32>
        %and3A_64 = arith.constant 7 : i32
        %and3A_65 = vector.broadcast %and3A_64 : i32 to vector<16xi32>
        %and3A_66 = arith.andi %get3A_60, %and3A_65 : vector<16xi32>
        %add3A_67 = arith.constant 5000 : i32
        %add3A_68 = vector.broadcast %add3A_67 : i32 to vector<16xi32>
        %add3A_69 = arith.addi %add3A_68, %and3A_66 : vector<16xi32>
        %select_n3A = arith.select %and3A, %sub3A, %add3A_69 : vector<16xi1>, vector<16xi32>
        %swap3A = arith.index_cast %add3A_56 : i32 to index
        %swap3A_70 = arith.constant 0 : index
        %swap3A_71 = tpu.vector_load %arg12[%swap3A, %swap3A_70] {strides = array<i32>} : memref<250x80xi32, #tpu.memory_space<vmem>>, vector<1x16xi32>,
        %swap3A_72 = vector.shape_cast %swap3A_71 : vector<1x16xi32> to vector<16xi32>
        %swap3A_73 = vector.shape_cast %select_n3A : vector<16xi32> to vector<1x16xi32>
        tpu.vector_store %arg12[%swap3A, %swap3A_70], %swap3A_73 {strides = array<i32>} : memref<250x80xi32, #tpu.memory_space<vmem>>, vector<1x16xi32>,
        %get3A_74 = arith.index_cast %add3A_56 : i32 to index
        %get3A_75 = arith.constant 16 : index
        %get3A_76 = tpu.vector_load %arg12[%get3A_74, %get3A_75] {strides = array<i32>} : memref<250x80xi32, #tpu.memory_space<vmem>>, vector<1x16xi32>,
        %get3A_77 = vector.shape_cast %get3A_76 : vector<1x16xi32> to vector<16xi32>
        %ge3A_78 = arith.cmpi sge, %get3A_77, %get3A_1 : vector<16xi32>
        %add3A_79 = arith.constant 5000 : i32
        %add3A_80 = vector.broadcast %add3A_79 : i32 to vector<16xi32>
        %add3A_81 = arith.addi %get3A_1, %add3A_80 : vector<16xi32>
        %lt3A_82 = arith.cmpi slt, %get3A_77, %add3A_81 : vector<16xi32>
        %and3A_83 = arith.andi %ge3A_78, %lt3A_82 : vector<16xi1>
        %sub3A_84 = arith.subi %get3A_77, %get3A_1 : vector<16xi32>
        %and3A_85 = arith.constant 7 : i32
        %and3A_86 = vector.broadcast %and3A_85 : i32 to vector<16xi32>
        %and3A_87 = arith.andi %get3A_77, %and3A_86 : vector<16xi32>
        %add3A_88 = arith.constant 5000 : i32
        %add3A_89 = vector.broadcast %add3A_88 : i32 to vector<16xi32>
        %add3A_90 = arith.addi %add3A_89, %and3A_87 : vector<16xi32>
        %select_n3A_91 = arith.select %and3A_83, %sub3A_84, %add3A_90 : vector<16xi1>, vector<16xi32>
        %swap3A_92 = arith.index_cast %add3A_56 : i32 to index
        %swap3A_93 = arith.constant 16 : index
        %swap3A_94 = tpu.vector_load %arg12[%swap3A_92, %swap3A_93] {strides = array<i32>} : memref<250x80xi32, #tpu.memory_space<vmem>>, vector<1x16xi32>,
        %swap3A_95 = vector.shape_cast %swap3A_94 : vector<1x16xi32> to vector<16xi32>
        %swap3A_96 = vector.shape_cast %select_n3A_91 : vector<16xi32> to vector<1x16xi32>
        tpu.vector_store %arg12[%swap3A_92, %swap3A_93], %swap3A_96 {strides = array<i32>} : memref<250x80xi32, #tpu.memory_space<vmem>>, vector<1x16xi32>,
        %get3A_97 = arith.index_cast %add3A_56 : i32 to index
        %get3A_98 = arith.constant 32 : index
        %get3A_99 = tpu.vector_load %arg12[%get3A_97, %get3A_98] {strides = array<i32>} : memref<250x80xi32, #tpu.memory_space<vmem>>, vector<1x16xi32>,
        %get3A_100 = vector.shape_cast %get3A_99 : vector<1x16xi32> to vector<16xi32>
        %ge3A_101 = arith.cmpi sge, %get3A_100, %get3A_1 : vector<16xi32>
        %add3A_102 = arith.constant 5000 : i32
        %add3A_103 = vector.broadcast %add3A_102 : i32 to vector<16xi32>
        %add3A_104 = arith.addi %get3A_1, %add3A_103 : vector<16xi32>
        %lt3A_105 = arith.cmpi slt, %get3A_100, %add3A_104 : vector<16xi32>
        %and3A_106 = arith.andi %ge3A_101, %lt3A_105 : vector<16xi1>
        %sub3A_107 = arith.subi %get3A_100, %get3A_1 : vector<16xi32>
        %and3A_108 = arith.constant 7 : i32
        %and3A_109 = vector.broadcast %and3A_108 : i32 to vector<16xi32>
        %and3A_110 = arith.andi %get3A_100, %and3A_109 : vector<16xi32>
        %add3A_111 = arith.constant 5000 : i32
        %add3A_112 = vector.broadcast %add3A_111 : i32 to vector<16xi32>
        %add3A_113 = arith.addi %add3A_112, %and3A_110 : vector<16xi32>
        %select_n3A_114 = arith.select %and3A_106, %sub3A_107, %add3A_113 : vector<16xi1>, vector<16xi32>
        %swap3A_115 = arith.index_cast %add3A_56 : i32 to index
        %swap3A_116 = arith.constant 32 : index
        %swap3A_117 = tpu.vector_load %arg12[%swap3A_115, %swap3A_116] {strides = array<i32>} : memref<250x80xi32, #tpu.memory_space<vmem>>, vector<1x16xi32>,
        %swap3A_118 = vector.shape_cast %swap3A_117 : vector<1x16xi32> to vector<16xi32>
        %swap3A_119 = vector.shape_cast %select_n3A_114 : vector<16xi32> to vector<1x16xi32>
        tpu.vector_store %arg12[%swap3A_115, %swap3A_116], %swap3A_119 {strides = array<i32>} : memref<250x80xi32, #tpu.memory_space<vmem>>, vector<1x16xi32>,
        %get3A_120 = arith.index_cast %add3A_56 : i32 to index
        %get3A_121 = arith.constant 48 : index
        %get3A_122 = tpu.vector_load %arg12[%get3A_120, %get3A_121] {strides = array<i32>} : memref<250x80xi32, #tpu.memory_space<vmem>>, vector<1x16xi32>,
        %get3A_123 = vector.shape_cast %get3A_122 : vector<1x16xi32> to vector<16xi32>
        %ge3A_124 = arith.cmpi sge, %get3A_123, %get3A_1 : vector<16xi32>
        %add3A_125 = arith.constant 5000 : i32
        %add3A_126 = vector.broadcast %add3A_125 : i32 to vector<16xi32>
        %add3A_127 = arith.addi %get3A_1, %add3A_126 : vector<16xi32>
        %lt3A_128 = arith.cmpi slt, %get3A_123, %add3A_127 : vector<16xi32>
        %and3A_129 = arith.andi %ge3A_124, %lt3A_128 : vector<16xi1>
        %sub3A_130 = arith.subi %get3A_123, %get3A_1 : vector<16xi32>
        %and3A_131 = arith.constant 7 : i32
        %and3A_132 = vector.broadcast %and3A_131 : i32 to vector<16xi32>
        %and3A_133 = arith.andi %get3A_123, %and3A_132 : vector<16xi32>
        %add3A_134 = arith.constant 5000 : i32
        %add3A_135 = vector.broadcast %add3A_134 : i32 to vector<16xi32>
        %add3A_136 = arith.addi %add3A_135, %and3A_133 : vector<16xi32>
        %select_n3A_137 = arith.select %and3A_129, %sub3A_130, %add3A_136 : vector<16xi1>, vector<16xi32>
        %swap3A_138 = arith.index_cast %add3A_56 : i32 to index
        %swap3A_139 = arith.constant 48 : index
        %swap3A_140 = tpu.vector_load %arg12[%swap3A_138, %swap3A_139] {strides = array<i32>} : memref<250x80xi32, #tpu.memory_space<vmem>>, vector<1x16xi32>,
        %swap3A_141 = vector.shape_cast %swap3A_140 : vector<1x16xi32> to vector<16xi32>
        %swap3A_142 = vector.shape_cast %select_n3A_137 : vector<16xi32> to vector<1x16xi32>
        tpu.vector_store %arg12[%swap3A_138, %swap3A_139], %swap3A_142 {strides = array<i32>} : memref<250x80xi32, #tpu.memory_space<vmem>>, vector<1x16xi32>,
        %get3A_143 = arith.index_cast %add3A_56 : i32 to index
        %get3A_144 = arith.constant 64 : index
        %get3A_145 = tpu.vector_load %arg12[%get3A_143, %get3A_144] {strides = array<i32>} : memref<250x80xi32, #tpu.memory_space<vmem>>, vector<1x16xi32>,
        %get3A_146 = vector.shape_cast %get3A_145 : vector<1x16xi32> to vector<16xi32>
        %ge3A_147 = arith.cmpi sge, %get3A_146, %get3A_1 : vector<16xi32>
        %add3A_148 = arith.constant 5000 : i32
        %add3A_149 = vector.broadcast %add3A_148 : i32 to vector<16xi32>
        %add3A_150 = arith.addi %get3A_1, %add3A_149 : vector<16xi32>
        %lt3A_151 = arith.cmpi slt, %get3A_146, %add3A_150 : vector<16xi32>
        %and3A_152 = arith.andi %ge3A_147, %lt3A_151 : vector<16xi1>
        %sub3A_153 = arith.subi %get3A_146, %get3A_1 : vector<16xi32>
        %and3A_154 = arith.constant 7 : i32
        %and3A_155 = vector.broadcast %and3A_154 : i32 to vector<16xi32>
        %and3A_156 = arith.andi %get3A_146, %and3A_155 : vector<16xi32>
        %add3A_157 = arith.constant 5000 : i32
        %add3A_158 = vector.broadcast %add3A_157 : i32 to vector<16xi32>
        %add3A_159 = arith.addi %add3A_158, %and3A_156 : vector<16xi32>
        %select_n3A_160 = arith.select %and3A_152, %sub3A_153, %add3A_159 : vector<16xi1>, vector<16xi32>
        %swap3A_161 = arith.index_cast %add3A_56 : i32 to index
        %swap3A_162 = arith.constant 64 : index
        %swap3A_163 = tpu.vector_load %arg12[%swap3A_161, %swap3A_162] {strides = array<i32>} : memref<250x80xi32, #tpu.memory_space<vmem>>, vector<1x16xi32>,
        %swap3A_164 = vector.shape_cast %swap3A_163 : vector<1x16xi32> to vector<16xi32>
        %swap3A_165 = vector.shape_cast %select_n3A_160 : vector<16xi32> to vector<1x16xi32>
        tpu.vector_store %arg12[%swap3A_161, %swap3A_162], %swap3A_165 {strides = array<i32>} : memref<250x80xi32, #tpu.memory_space<vmem>>, vector<1x16xi32>,
        %dma_wait3A_166 = arith.constant 0 : i32
        %dma_wait3A_167 = tpu.memref_slice %arg11[%add3A_56, %dma_wait3A_166] : memref<250x80xi32, #tpu.memory_space<vmem>> -> memref<1x80xi32, #tpu.memory_space<vmem>>
        %dma_wait3A_168 = tpu.memref_squeeze %dma_wait3A_167 : memref<1x80xi32, #tpu.memory_space<vmem>> -> memref<80xi32, #tpu.memory_space<vmem>>
        %dma_wait3A_169 = arith.constant 0 : i32
        %dma_wait3A_170 = arith.constant 0 : i32
        %dma_wait3A_171 = tpu.memref_slice %arg2[%dma_wait3A_169, %dma_wait3A_170] : memref<10000x128xf32, #tpu.memory_space<hbm>> -> memref<10000x128xf32, #tpu.memory_space<hbm>>
        tpu.wait_indirect_dma semaphore(%arg17 : memref<!tpu.dma_semaphore, #tpu.memory_space<semaphore_mem>>) src(%dma_wait3A_171 : memref<10000x128xf32, #tpu.memory_space<hbm>>) dst(%arg13 : memref<80x128xf32, #tpu.memory_space<vmem>>)
        %dma_start3A_172 = arith.constant 0 : i32
        %dma_start3A_173 = tpu.memref_slice %arg12[%add3A_56, %dma_start3A_172] : memref<250x80xi32, #tpu.memory_space<vmem>> -> memref<1x80xi32, #tpu.memory_space<vmem>>
        %dma_start3A_174 = tpu.memref_squeeze %dma_start3A_173 : memref<1x80xi32, #tpu.memory_space<vmem>> -> memref<80xi32, #tpu.memory_space<vmem>>
        %dma_start3A_175 = arith.constant 0 : i32
        %dma_start3A_176 = arith.constant 0 : i32
        %dma_start3A_177 = tpu.memref_slice %arg16[%dma_start3A_175, %dma_start3A_176] : memref<5008x128xf32, #tpu.memory_space<vmem_shared>> -> memref<5008x128xf32, #tpu.memory_space<vmem_shared>>
        tpu.enqueue_indirect_dma source(%arg13 : memref<80x128xf32, #tpu.memory_space<vmem>>) target(%dma_start3A_177 : memref<5008x128xf32, #tpu.memory_space<vmem_shared>>) offsets(%dma_start3A_174 : memref<80xi32, #tpu.memory_space<vmem>>) semaphore(%arg19 : memref<!tpu.dma_semaphore, #tpu.memory_space<semaphore_mem>>) {add = true}
        %add3A_178 = arith.constant 2 : i32
        %add3A_179 = arith.addi %add3A_56, %add3A_178 : i32
        %sub3A_180 = arith.constant 1 : i32
        %sub3A_181 = arith.subi %add3A_179, %sub3A_180 : i32
        %lt3A_182 = arith.constant 250 : i32
        %lt3A_183 = arith.cmpi slt, %sub3A_181, %lt3A_182 : i32
        %convert_element_type3A_184 = arith.extui %lt3A_183 : i1 to i32
        %cond3A_185 = arith.constant 0 : i32
        %cond3A_186 = arith.cmpi ne, %convert_element_type3A_184, %cond3A_185 : i32
        scf.if %cond3A_186 {
          %ge3A_328 = arith.constant 1 : i32
          %ge3A_329 = arith.cmpi sge, %add3A_56, %ge3A_328 : i32
          %convert_element_type3A_330 = arith.extui %ge3A_329 : i1 to i32
          %cond3A_331 = arith.constant 0 : i32
          %cond3A_332 = arith.cmpi ne, %convert_element_type3A_330, %cond3A_331 : i32
          scf.if %cond3A_332 {
            %sub3A_339 = arith.constant 1 : i32
            %sub3A_340 = arith.subi %add3A_56, %sub3A_339 : i32
            %dma_wait3A_341 = arith.constant 0 : i32
            %dma_wait3A_342 = tpu.memref_slice %arg12[%sub3A_340, %dma_wait3A_341] : memref<250x80xi32, #tpu.memory_space<vmem>> -> memref<1x80xi32, #tpu.memory_space<vmem>>
            %dma_wait3A_343 = tpu.memref_squeeze %dma_wait3A_342 : memref<1x80xi32, #tpu.memory_space<vmem>> -> memref<80xi32, #tpu.memory_space<vmem>>
            %dma_wait3A_344 = arith.constant 0 : i32
            %dma_wait3A_345 = arith.constant 0 : i32
            %dma_wait3A_346 = tpu.memref_slice %arg16[%dma_wait3A_344, %dma_wait3A_345] : memref<5008x128xf32, #tpu.memory_space<vmem_shared>> -> memref<5008x128xf32, #tpu.memory_space<vmem_shared>>
            tpu.wait_indirect_dma semaphore(%arg20 : memref<!tpu.dma_semaphore, #tpu.memory_space<semaphore_mem>>) src(%arg14 : memref<80x128xf32, #tpu.memory_space<vmem>>) dst(%dma_wait3A_346 : memref<5008x128xf32, #tpu.memory_space<vmem_shared>>)
          } else {
          }
          %dma_start3A_333 = arith.constant 0 : i32
          %dma_start3A_334 = tpu.memref_slice %arg11[%sub3A_181, %dma_start3A_333] : memref<250x80xi32, #tpu.memory_space<vmem>> -> memref<1x80xi32, #tpu.memory_space<vmem>>
          %dma_start3A_335 = tpu.memref_squeeze %dma_start3A_334 : memref<1x80xi32, #tpu.memory_space<vmem>> -> memref<80xi32, #tpu.memory_space<vmem>>
          %dma_start3A_336 = arith.constant 0 : i32
          %dma_start3A_337 = arith.constant 0 : i32
          %dma_start3A_338 = tpu.memref_slice %arg2[%dma_start3A_336, %dma_start3A_337] : memref<10000x128xf32, #tpu.memory_space<hbm>> -> memref<10000x128xf32, #tpu.memory_space<hbm>>
          tpu.enqueue_indirect_dma source(%dma_start3A_338 : memref<10000x128xf32, #tpu.memory_space<hbm>>) target(%arg14 : memref<80x128xf32, #tpu.memory_space<vmem>>) offsets(%dma_start3A_335 : memref<80xi32, #tpu.memory_space<vmem>>) semaphore(%arg18 : memref<!tpu.dma_semaphore, #tpu.memory_space<semaphore_mem>>)
        } else {
        }
        %mul3A_187 = arith.constant 2 : i32
        %mul3A_188 = arith.muli %mul3A_187, %scan3A_52 : i32
        %add3A_189 = arith.constant 1 : i32
        %add3A_190 = arith.addi %mul3A_188, %add3A_189 : i32
        %get3A_191 = arith.index_cast %add3A_190 : i32 to index
        %get3A_192 = arith.constant 0 : index
        %get3A_193 = tpu.vector_load %arg12[%get3A_191, %get3A_192] {strides = array<i32>} : memref<250x80xi32, #tpu.memory_space<vmem>>, vector<1x16xi32>,
        %get3A_194 = vector.shape_cast %get3A_193 : vector<1x16xi32> to vector<16xi32>
        %ge3A_195 = arith.cmpi sge, %get3A_194, %get3A_1 : vector<16xi32>
        %add3A_196 = arith.constant 5000 : i32
        %add3A_197 = vector.broadcast %add3A_196 : i32 to vector<16xi32>
        %add3A_198 = arith.addi %get3A_1, %add3A_197 : vector<16xi32>
        %lt3A_199 = arith.cmpi slt, %get3A_194, %add3A_198 : vector<16xi32>
        %and3A_200 = arith.andi %ge3A_195, %lt3A_199 : vector<16xi1>
        %sub3A_201 = arith.subi %get3A_194, %get3A_1 : vector<16xi32>
        %and3A_202 = arith.constant 7 : i32
        %and3A_203 = vector.broadcast %and3A_202 : i32 to vector<16xi32>
        %and3A_204 = arith.andi %get3A_194, %and3A_203 : vector<16xi32>
        %add3A_205 = arith.constant 5000 : i32
        %add3A_206 = vector.broadcast %add3A_205 : i32 to vector<16xi32>
        %add3A_207 = arith.addi %add3A_206, %and3A_204 : vector<16xi32>
        %select_n3A_208 = arith.select %and3A_200, %sub3A_201, %add3A_207 : vector<16xi1>, vector<16xi32>
        %swap3A_209 = arith.index_cast %add3A_190 : i32 to index
        %swap3A_210 = arith.constant 0 : index
        %swap3A_211 = tpu.vector_load %arg12[%swap3A_209, %swap3A_210] {strides = array<i32>} : memref<250x80xi32, #tpu.memory_space<vmem>>, vector<1x16xi32>,
        %swap3A_212 = vector.shape_cast %swap3A_211 : vector<1x16xi32> to vector<16xi32>
        %swap3A_213 = vector.shape_cast %select_n3A_208 : vector<16xi32> to vector<1x16xi32>
        tpu.vector_store %arg12[%swap3A_209, %swap3A_210], %swap3A_213 {strides = array<i32>} : memref<250x80xi32, #tpu.memory_space<vmem>>, vector<1x16xi32>,
        %get3A_214 = arith.index_cast %add3A_190 : i32 to index
        %get3A_215 = arith.constant 16 : index
        %get3A_216 = tpu.vector_load %arg12[%get3A_214, %get3A_215] {strides = array<i32>} : memref<250x80xi32, #tpu.memory_space<vmem>>, vector<1x16xi32>,
        %get3A_217 = vector.shape_cast %get3A_216 : vector<1x16xi32> to vector<16xi32>
        %ge3A_218 = arith.cmpi sge, %get3A_217, %get3A_1 : vector<16xi32>
        %add3A_219 = arith.constant 5000 : i32
        %add3A_220 = vector.broadcast %add3A_219 : i32 to vector<16xi32>
        %add3A_221 = arith.addi %get3A_1, %add3A_220 : vector<16xi32>
        %lt3A_222 = arith.cmpi slt, %get3A_217, %add3A_221 : vector<16xi32>
        %and3A_223 = arith.andi %ge3A_218, %lt3A_222 : vector<16xi1>
        %sub3A_224 = arith.subi %get3A_217, %get3A_1 : vector<16xi32>
        %and3A_225 = arith.constant 7 : i32
        %and3A_226 = vector.broadcast %and3A_225 : i32 to vector<16xi32>
        %and3A_227 = arith.andi %get3A_217, %and3A_226 : vector<16xi32>
        %add3A_228 = arith.constant 5000 : i32
        %add3A_229 = vector.broadcast %add3A_228 : i32 to vector<16xi32>
        %add3A_230 = arith.addi %add3A_229, %and3A_227 : vector<16xi32>
        %select_n3A_231 = arith.select %and3A_223, %sub3A_224, %add3A_230 : vector<16xi1>, vector<16xi32>
        %swap3A_232 = arith.index_cast %add3A_190 : i32 to index
        %swap3A_233 = arith.constant 16 : index
        %swap3A_234 = tpu.vector_load %arg12[%swap3A_232, %swap3A_233] {strides = array<i32>} : memref<250x80xi32, #tpu.memory_space<vmem>>, vector<1x16xi32>,
        %swap3A_235 = vector.shape_cast %swap3A_234 : vector<1x16xi32> to vector<16xi32>
        %swap3A_236 = vector.shape_cast %select_n3A_231 : vector<16xi32> to vector<1x16xi32>
        tpu.vector_store %arg12[%swap3A_232, %swap3A_233], %swap3A_236 {strides = array<i32>} : memref<250x80xi32, #tpu.memory_space<vmem>>, vector<1x16xi32>,
        %get3A_237 = arith.index_cast %add3A_190 : i32 to index
        %get3A_238 = arith.constant 32 : index
        %get3A_239 = tpu.vector_load %arg12[%get3A_237, %get3A_238] {strides = array<i32>} : memref<250x80xi32, #tpu.memory_space<vmem>>, vector<1x16xi32>,
        %get3A_240 = vector.shape_cast %get3A_239 : vector<1x16xi32> to vector<16xi32>
        %ge3A_241 = arith.cmpi sge, %get3A_240, %get3A_1 : vector<16xi32>
        %add3A_242 = arith.constant 5000 : i32
        %add3A_243 = vector.broadcast %add3A_242 : i32 to vector<16xi32>
        %add3A_244 = arith.addi %get3A_1, %add3A_243 : vector<16xi32>
        %lt3A_245 = arith.cmpi slt, %get3A_240, %add3A_244 : vector<16xi32>
        %and3A_246 = arith.andi %ge3A_241, %lt3A_245 : vector<16xi1>
        %sub3A_247 = arith.subi %get3A_240, %get3A_1 : vector<16xi32>
        %and3A_248 = arith.constant 7 : i32
        %and3A_249 = vector.broadcast %and3A_248 : i32 to vector<16xi32>
        %and3A_250 = arith.andi %get3A_240, %and3A_249 : vector<16xi32>
        %add3A_251 = arith.constant 5000 : i32
        %add3A_252 = vector.broadcast %add3A_251 : i32 to vector<16xi32>
        %add3A_253 = arith.addi %add3A_252, %and3A_250 : vector<16xi32>
        %select_n3A_254 = arith.select %and3A_246, %sub3A_247, %add3A_253 : vector<16xi1>, vector<16xi32>
        %swap3A_255 = arith.index_cast %add3A_190 : i32 to index
        %swap3A_256 = arith.constant 32 : index
        %swap3A_257 = tpu.vector_load %arg12[%swap3A_255, %swap3A_256] {strides = array<i32>} : memref<250x80xi32, #tpu.memory_space<vmem>>, vector<1x16xi32>,
        %swap3A_258 = vector.shape_cast %swap3A_257 : vector<1x16xi32> to vector<16xi32>
        %swap3A_259 = vector.shape_cast %select_n3A_254 : vector<16xi32> to vector<1x16xi32>
        tpu.vector_store %arg12[%swap3A_255, %swap3A_256], %swap3A_259 {strides = array<i32>} : memref<250x80xi32, #tpu.memory_space<vmem>>, vector<1x16xi32>,
        %get3A_260 = arith.index_cast %add3A_190 : i32 to index
        %get3A_261 = arith.constant 48 : index
        %get3A_262 = tpu.vector_load %arg12[%get3A_260, %get3A_261] {strides = array<i32>} : memref<250x80xi32, #tpu.memory_space<vmem>>, vector<1x16xi32>,
        %get3A_263 = vector.shape_cast %get3A_262 : vector<1x16xi32> to vector<16xi32>
        %ge3A_264 = arith.cmpi sge, %get3A_263, %get3A_1 : vector<16xi32>
        %add3A_265 = arith.constant 5000 : i32
        %add3A_266 = vector.broadcast %add3A_265 : i32 to vector<16xi32>
        %add3A_267 = arith.addi %get3A_1, %add3A_266 : vector<16xi32>
        %lt3A_268 = arith.cmpi slt, %get3A_263, %add3A_267 : vector<16xi32>
        %and3A_269 = arith.andi %ge3A_264, %lt3A_268 : vector<16xi1>
        %sub3A_270 = arith.subi %get3A_263, %get3A_1 : vector<16xi32>
        %and3A_271 = arith.constant 7 : i32
        %and3A_272 = vector.broadcast %and3A_271 : i32 to vector<16xi32>
        %and3A_273 = arith.andi %get3A_263, %and3A_272 : vector<16xi32>
        %add3A_274 = arith.constant 5000 : i32
        %add3A_275 = vector.broadcast %add3A_274 : i32 to vector<16xi32>
        %add3A_276 = arith.addi %add3A_275, %and3A_273 : vector<16xi32>
        %select_n3A_277 = arith.select %and3A_269, %sub3A_270, %add3A_276 : vector<16xi1>, vector<16xi32>
        %swap3A_278 = arith.index_cast %add3A_190 : i32 to index
        %swap3A_279 = arith.constant 48 : index
        %swap3A_280 = tpu.vector_load %arg12[%swap3A_278, %swap3A_279] {strides = array<i32>} : memref<250x80xi32, #tpu.memory_space<vmem>>, vector<1x16xi32>,
        %swap3A_281 = vector.shape_cast %swap3A_280 : vector<1x16xi32> to vector<16xi32>
        %swap3A_282 = vector.shape_cast %select_n3A_277 : vector<16xi32> to vector<1x16xi32>
        tpu.vector_store %arg12[%swap3A_278, %swap3A_279], %swap3A_282 {strides = array<i32>} : memref<250x80xi32, #tpu.memory_space<vmem>>, vector<1x16xi32>,
        %get3A_283 = arith.index_cast %add3A_190 : i32 to index
        %get3A_284 = arith.constant 64 : index
        %get3A_285 = tpu.vector_load %arg12[%get3A_283, %get3A_284] {strides = array<i32>} : memref<250x80xi32, #tpu.memory_space<vmem>>, vector<1x16xi32>,
        %get3A_286 = vector.shape_cast %get3A_285 : vector<1x16xi32> to vector<16xi32>
        %ge3A_287 = arith.cmpi sge, %get3A_286, %get3A_1 : vector<16xi32>
        %add3A_288 = arith.constant 5000 : i32
        %add3A_289 = vector.broadcast %add3A_288 : i32 to vector<16xi32>
        %add3A_290 = arith.addi %get3A_1, %add3A_289 : vector<16xi32>
        %lt3A_291 = arith.cmpi slt, %get3A_286, %add3A_290 : vector<16xi32>
        %and3A_292 = arith.andi %ge3A_287, %lt3A_291 : vector<16xi1>
        %sub3A_293 = arith.subi %get3A_286, %get3A_1 : vector<16xi32>
        %and3A_294 = arith.constant 7 : i32
        %and3A_295 = vector.broadcast %and3A_294 : i32 to vector<16xi32>
        %and3A_296 = arith.andi %get3A_286, %and3A_295 : vector<16xi32>
        %add3A_297 = arith.constant 5000 : i32
        %add3A_298 = vector.broadcast %add3A_297 : i32 to vector<16xi32>
        %add3A_299 = arith.addi %add3A_298, %and3A_296 : vector<16xi32>
        %select_n3A_300 = arith.select %and3A_292, %sub3A_293, %add3A_299 : vector<16xi1>, vector<16xi32>
        %swap3A_301 = arith.index_cast %add3A_190 : i32 to index
        %swap3A_302 = arith.constant 64 : index
        %swap3A_303 = tpu.vector_load %arg12[%swap3A_301, %swap3A_302] {strides = array<i32>} : memref<250x80xi32, #tpu.memory_space<vmem>>, vector<1x16xi32>,
        %swap3A_304 = vector.shape_cast %swap3A_303 : vector<1x16xi32> to vector<16xi32>
        %swap3A_305 = vector.shape_cast %select_n3A_300 : vector<16xi32> to vector<1x16xi32>
        tpu.vector_store %arg12[%swap3A_301, %swap3A_302], %swap3A_305 {strides = array<i32>} : memref<250x80xi32, #tpu.memory_space<vmem>>, vector<1x16xi32>,
        %dma_wait3A_306 = arith.constant 0 : i32
        %dma_wait3A_307 = tpu.memref_slice %arg11[%add3A_190, %dma_wait3A_306] : memref<250x80xi32, #tpu.memory_space<vmem>> -> memref<1x80xi32, #tpu.memory_space<vmem>>
        %dma_wait3A_308 = tpu.memref_squeeze %dma_wait3A_307 : memref<1x80xi32, #tpu.memory_space<vmem>> -> memref<80xi32, #tpu.memory_space<vmem>>
        %dma_wait3A_309 = arith.constant 0 : i32
        %dma_wait3A_310 = arith.constant 0 : i32
        %dma_wait3A_311 = tpu.memref_slice %arg2[%dma_wait3A_309, %dma_wait3A_310] : memref<10000x128xf32, #tpu.memory_space<hbm>> -> memref<10000x128xf32, #tpu.memory_space<hbm>>
        tpu.wait_indirect_dma semaphore(%arg18 : memref<!tpu.dma_semaphore, #tpu.memory_space<semaphore_mem>>) src(%dma_wait3A_311 : memref<10000x128xf32, #tpu.memory_space<hbm>>) dst(%arg14 : memref<80x128xf32, #tpu.memory_space<vmem>>)
        %dma_start3A_312 = arith.constant 0 : i32
        %dma_start3A_313 = tpu.memref_slice %arg12[%add3A_190, %dma_start3A_312] : memref<250x80xi32, #tpu.memory_space<vmem>> -> memref<1x80xi32, #tpu.memory_space<vmem>>
        %dma_start3A_314 = tpu.memref_squeeze %dma_start3A_313 : memref<1x80xi32, #tpu.memory_space<vmem>> -> memref<80xi32, #tpu.memory_space<vmem>>
        %dma_start3A_315 = arith.constant 0 : i32
        %dma_start3A_316 = arith.constant 0 : i32
        %dma_start3A_317 = tpu.memref_slice %arg16[%dma_start3A_315, %dma_start3A_316] : memref<5008x128xf32, #tpu.memory_space<vmem_shared>> -> memref<5008x128xf32, #tpu.memory_space<vmem_shared>>
        tpu.enqueue_indirect_dma source(%arg14 : memref<80x128xf32, #tpu.memory_space<vmem>>) target(%dma_start3A_317 : memref<5008x128xf32, #tpu.memory_space<vmem_shared>>) offsets(%dma_start3A_314 : memref<80xi32, #tpu.memory_space<vmem>>) semaphore(%arg20 : memref<!tpu.dma_semaphore, #tpu.memory_space<semaphore_mem>>) {add = true}
        %add3A_318 = arith.constant 2 : i32
        %add3A_319 = arith.addi %add3A_190, %add3A_318 : i32
        %sub3A_320 = arith.constant 1 : i32
        %sub3A_321 = arith.subi %add3A_319, %sub3A_320 : i32
        %lt3A_322 = arith.constant 250 : i32
        %lt3A_323 = arith.cmpi slt, %sub3A_321, %lt3A_322 : i32
        %convert_element_type3A_324 = arith.extui %lt3A_323 : i1 to i32
        %cond3A_325 = arith.constant 0 : i32
        %cond3A_326 = arith.cmpi ne, %convert_element_type3A_324, %cond3A_325 : i32
        scf.if %cond3A_326 {
          %ge3A_328 = arith.constant 1 : i32
          %ge3A_329 = arith.cmpi sge, %add3A_190, %ge3A_328 : i32
          %convert_element_type3A_330 = arith.extui %ge3A_329 : i1 to i32
          %cond3A_331 = arith.constant 0 : i32
          %cond3A_332 = arith.cmpi ne, %convert_element_type3A_330, %cond3A_331 : i32
          scf.if %cond3A_332 {
            %sub3A_339 = arith.constant 1 : i32
            %sub3A_340 = arith.subi %add3A_190, %sub3A_339 : i32
            %dma_wait3A_341 = arith.constant 0 : i32
            %dma_wait3A_342 = tpu.memref_slice %arg12[%sub3A_340, %dma_wait3A_341] : memref<250x80xi32, #tpu.memory_space<vmem>> -> memref<1x80xi32, #tpu.memory_space<vmem>>
            %dma_wait3A_343 = tpu.memref_squeeze %dma_wait3A_342 : memref<1x80xi32, #tpu.memory_space<vmem>> -> memref<80xi32, #tpu.memory_space<vmem>>
            %dma_wait3A_344 = arith.constant 0 : i32
            %dma_wait3A_345 = arith.constant 0 : i32
            %dma_wait3A_346 = tpu.memref_slice %arg16[%dma_wait3A_344, %dma_wait3A_345] : memref<5008x128xf32, #tpu.memory_space<vmem_shared>> -> memref<5008x128xf32, #tpu.memory_space<vmem_shared>>
            tpu.wait_indirect_dma semaphore(%arg19 : memref<!tpu.dma_semaphore, #tpu.memory_space<semaphore_mem>>) src(%arg13 : memref<80x128xf32, #tpu.memory_space<vmem>>) dst(%dma_wait3A_346 : memref<5008x128xf32, #tpu.memory_space<vmem_shared>>)
          } else {
          }
          %dma_start3A_333 = arith.constant 0 : i32
          %dma_start3A_334 = tpu.memref_slice %arg11[%sub3A_321, %dma_start3A_333] : memref<250x80xi32, #tpu.memory_space<vmem>> -> memref<1x80xi32, #tpu.memory_space<vmem>>
          %dma_start3A_335 = tpu.memref_squeeze %dma_start3A_334 : memref<1x80xi32, #tpu.memory_space<vmem>> -> memref<80xi32, #tpu.memory_space<vmem>>
          %dma_start3A_336 = arith.constant 0 : i32
          %dma_start3A_337 = arith.constant 0 : i32
          %dma_start3A_338 = tpu.memref_slice %arg2[%dma_start3A_336, %dma_start3A_337] : memref<10000x128xf32, #tpu.memory_space<hbm>> -> memref<10000x128xf32, #tpu.memory_space<hbm>>
          tpu.enqueue_indirect_dma source(%dma_start3A_338 : memref<10000x128xf32, #tpu.memory_space<hbm>>) target(%arg13 : memref<80x128xf32, #tpu.memory_space<vmem>>) offsets(%dma_start3A_335 : memref<80xi32, #tpu.memory_space<vmem>>) semaphore(%arg17 : memref<!tpu.dma_semaphore, #tpu.memory_space<semaphore_mem>>)
        } else {
        }
        %scan3A_327 = arith.constant 0 : i32
        scf.yield %scan3A_327 : i32
      }
      %scan3A_28 = arith.constant 125 : i32
      %dma_wait3A = arith.constant 248 : i32
      %dma_wait3A_29 = arith.constant 0 : i32
      %dma_wait3A_30 = tpu.memref_slice %arg12[%dma_wait3A, %dma_wait3A_29] : memref<250x80xi32, #tpu.memory_space<vmem>> -> memref<1x80xi32, #tpu.memory_space<vmem>>
      %dma_wait3A_31 = tpu.memref_squeeze %dma_wait3A_30 : memref<1x80xi32, #tpu.memory_space<vmem>> -> memref<80xi32, #tpu.memory_space<vmem>>
      %dma_wait3A_32 = arith.constant 0 : i32
      %dma_wait3A_33 = arith.constant 0 : i32
      %dma_wait3A_34 = tpu.memref_slice %arg16[%dma_wait3A_32, %dma_wait3A_33] : memref<5008x128xf32, #tpu.memory_space<vmem_shared>> -> memref<5008x128xf32, #tpu.memory_space<vmem_shared>>
      tpu.wait_indirect_dma semaphore(%arg19 : memref<!tpu.dma_semaphore, #tpu.memory_space<semaphore_mem>>) src(%arg13 : memref<80x128xf32, #tpu.memory_space<vmem>>) dst(%dma_wait3A_34 : memref<5008x128xf32, #tpu.memory_space<vmem_shared>>)
      %dma_wait3A_35 = arith.constant 249 : i32
      %dma_wait3A_36 = arith.constant 0 : i32
      %dma_wait3A_37 = tpu.memref_slice %arg12[%dma_wait3A_35, %dma_wait3A_36] : memref<250x80xi32, #tpu.memory_space<vmem>> -> memref<1x80xi32, #tpu.memory_space<vmem>>
      %dma_wait3A_38 = tpu.memref_squeeze %dma_wait3A_37 : memref<1x80xi32, #tpu.memory_space<vmem>> -> memref<80xi32, #tpu.memory_space<vmem>>
      %dma_wait3A_39 = arith.constant 0 : i32
      %dma_wait3A_40 = arith.constant 0 : i32
      %dma_wait3A_41 = tpu.memref_slice %arg16[%dma_wait3A_39, %dma_wait3A_40] : memref<5008x128xf32, #tpu.memory_space<vmem_shared>> -> memref<5008x128xf32, #tpu.memory_space<vmem_shared>>
      tpu.wait_indirect_dma semaphore(%arg20 : memref<!tpu.dma_semaphore, #tpu.memory_space<semaphore_mem>>) src(%arg14 : memref<80x128xf32, #tpu.memory_space<vmem>>) dst(%dma_wait3A_41 : memref<5008x128xf32, #tpu.memory_space<vmem_shared>>)
      %barrier3A_42 = arith.constant 0 : index
      tpu.barrier barrier_id(%barrier3A_42)
      %mul3A_43 = arith.constant 312 : i32
      %mul3A_44 = arith.muli %arg1, %mul3A_43 : i32
      %mul3A_45 = arith.constant 312 : i32
      %mul3A_46 = arith.muli %arg1, %mul3A_45 : i32
      "tpu.region"() ({
        %run_scoped3A = tpu.sem_alloc : memref<!tpu.dma_semaphore, #tpu.memory_space<semaphore_mem>>
        %dma_start3A_52 = arith.constant 0 : i32
        %dma_start3A_53 = tpu.memref_slice %arg9[%mul3A_46, %dma_start3A_52] : memref<5000x128xf32, #tpu.memory_space<hbm>> -> memref<312x128xf32, #tpu.memory_space<hbm>>
        %dma_start3A_54 = arith.constant 0 : i32
        %dma_start3A_55 = tpu.memref_slice %arg16[%mul3A_44, %dma_start3A_54] : memref<5008x128xf32, #tpu.memory_space<vmem_shared>> -> memref<312x128xf32, #tpu.memory_space<vmem_shared>>
        tpu.enqueue_dma source(%dma_start3A_55 : memref<312x128xf32, #tpu.memory_space<vmem_shared>>) target(%dma_start3A_53 : memref<312x128xf32, #tpu.memory_space<hbm>>) target_semaphore(%run_scoped3A : memref<!tpu.dma_semaphore, #tpu.memory_space<semaphore_mem>>)
        %dma_wait3A_56 = arith.constant 0 : i32
        %dma_wait3A_57 = tpu.memref_slice %arg9[%mul3A_46, %dma_wait3A_56] : memref<5000x128xf32, #tpu.memory_space<hbm>> -> memref<312x128xf32, #tpu.memory_space<hbm>>
        %dma_wait3A_58 = arith.constant 0 : i32
        %dma_wait3A_59 = tpu.memref_slice %arg16[%mul3A_44, %dma_wait3A_58] : memref<5008x128xf32, #tpu.memory_space<vmem_shared>> -> memref<312x128xf32, #tpu.memory_space<vmem_shared>>
        tpu.wait_dma2 semaphore(%run_scoped3A : memref<!tpu.dma_semaphore, #tpu.memory_space<semaphore_mem>>) src(%dma_wait3A_59 : memref<312x128xf32, #tpu.memory_space<vmem_shared>>) dst(%dma_wait3A_57 : memref<312x128xf32, #tpu.memory_space<hbm>>)
        tpu.yield
      }) : () -> ()
      %eq3A_47 = arith.constant 15 : i32
      %eq3A_48 = arith.cmpi eq, %arg1, %eq3A_47 : i32
      %convert_element_type3A_49 = arith.extui %eq3A_48 : i1 to i32
      %cond3A_50 = arith.constant 0 : i32
      %cond3A_51 = arith.cmpi ne, %convert_element_type3A_49, %cond3A_50 : i32
      scf.if %cond3A_51 {
        "tpu.region"() ({
          %run_scoped3A = tpu.sem_alloc : memref<!tpu.dma_semaphore, #tpu.memory_space<semaphore_mem>>
          %dma_start3A_52 = arith.constant 4992 : i32
          %dma_start3A_53 = arith.constant 0 : i32
          %dma_start3A_54 = tpu.memref_slice %arg9[%dma_start3A_52, %dma_start3A_53] : memref<5000x128xf32, #tpu.memory_space<hbm>> -> memref<8x128xf32, #tpu.memory_space<hbm>>
          %dma_start3A_55 = arith.constant 4992 : i32
          %dma_start3A_56 = arith.constant 0 : i32
          %dma_start3A_57 = tpu.memref_slice %arg16[%dma_start3A_55, %dma_start3A_56] : memref<5008x128xf32, #tpu.memory_space<vmem_shared>> -> memref<8x128xf32, #tpu.memory_space<vmem_shared>>
          tpu.enqueue_dma source(%dma_start3A_57 : memref<8x128xf32, #tpu.memory_space<vmem_shared>>) target(%dma_start3A_54 : memref<8x128xf32, #tpu.memory_space<hbm>>) target_semaphore(%run_scoped3A : memref<!tpu.dma_semaphore, #tpu.memory_space<semaphore_mem>>)
          %dma_wait3A_58 = arith.constant 4992 : i32
          %dma_wait3A_59 = arith.constant 0 : i32
          %dma_wait3A_60 = tpu.memref_slice %arg9[%dma_wait3A_58, %dma_wait3A_59] : memref<5000x128xf32, #tpu.memory_space<hbm>> -> memref<8x128xf32, #tpu.memory_space<hbm>>
          %dma_wait3A_61 = arith.constant 4992 : i32
          %dma_wait3A_62 = arith.constant 0 : i32
          %dma_wait3A_63 = tpu.memref_slice %arg16[%dma_wait3A_61, %dma_wait3A_62] : memref<5008x128xf32, #tpu.memory_space<vmem_shared>> -> memref<8x128xf32, #tpu.memory_space<vmem_shared>>
          tpu.wait_dma2 semaphore(%run_scoped3A : memref<!tpu.dma_semaphore, #tpu.memory_space<semaphore_mem>>) src(%dma_wait3A_63 : memref<8x128xf32, #tpu.memory_space<vmem_shared>>) dst(%dma_wait3A_60 : memref<8x128xf32, #tpu.memory_space<hbm>>)
          tpu.yield
        }) : () -> ()
      } else {
      }
    } else {
    }
    %eq3A_4 = arith.constant 1 : i32
    %eq3A_5 = arith.cmpi eq, %arg0, %eq3A_4 : i32
    %convert_element_type3A_6 = arith.extui %eq3A_5 : i1 to i32
    %cond3A_7 = arith.constant 0 : i32
    %cond3A_8 = arith.cmpi ne, %convert_element_type3A_6, %cond3A_7 : i32
    scf.if %cond3A_8 {
      %mul3A = arith.constant 312 : i32
      %mul3A_9 = arith.muli %arg1, %mul3A : i32
      %mul3A_10 = arith.constant 312 : i32
      %mul3A_11 = arith.muli %arg1, %mul3A_10 : i32
      "tpu.region"() ({
        %run_scoped3A = tpu.sem_alloc : memref<!tpu.dma_semaphore, #tpu.memory_space<semaphore_mem>>
        %dma_start3A_52 = arith.constant 0 : i32
        %dma_start3A_53 = tpu.memref_slice %arg16[%mul3A_11, %dma_start3A_52] : memref<5008x128xf32, #tpu.memory_space<vmem_shared>> -> memref<312x128xf32, #tpu.memory_space<vmem_shared>>
        %dma_start3A_54 = arith.constant 0 : i32
        %dma_start3A_55 = tpu.memref_slice %arg5[%mul3A_9, %dma_start3A_54] : memref<5000x128xf32, #tpu.memory_space<hbm>> -> memref<312x128xf32, #tpu.memory_space<hbm>>
        tpu.enqueue_dma source(%dma_start3A_55 : memref<312x128xf32, #tpu.memory_space<hbm>>) target(%dma_start3A_53 : memref<312x128xf32, #tpu.memory_space<vmem_shared>>) target_semaphore(%run_scoped3A : memref<!tpu.dma_semaphore, #tpu.memory_space<semaphore_mem>>)
        %dma_wait3A_56 = arith.constant 0 : i32
        %dma_wait3A_57 = tpu.memref_slice %arg16[%mul3A_11, %dma_wait3A_56] : memref<5008x128xf32, #tpu.memory_space<vmem_shared>> -> memref<312x128xf32, #tpu.memory_space<vmem_shared>>
        %dma_wait3A_58 = arith.constant 0 : i32
        %dma_wait3A_59 = tpu.memref_slice %arg5[%mul3A_9, %dma_wait3A_58] : memref<5000x128xf32, #tpu.memory_space<hbm>> -> memref<312x128xf32, #tpu.memory_space<hbm>>
        tpu.wait_dma2 semaphore(%run_scoped3A : memref<!tpu.dma_semaphore, #tpu.memory_space<semaphore_mem>>) src(%dma_wait3A_59 : memref<312x128xf32, #tpu.memory_space<hbm>>) dst(%dma_wait3A_57 : memref<312x128xf32, #tpu.memory_space<vmem_shared>>)
        tpu.yield
      }) : () -> ()
      %eq3A_12 = arith.constant 15 : i32
      %eq3A_13 = arith.cmpi eq, %arg1, %eq3A_12 : i32
      %convert_element_type3A_14 = arith.extui %eq3A_13 : i1 to i32
      %cond3A_15 = arith.constant 0 : i32
      %cond3A_16 = arith.cmpi ne, %convert_element_type3A_14, %cond3A_15 : i32
      scf.if %cond3A_16 {
        "tpu.region"() ({
          %run_scoped3A = tpu.sem_alloc : memref<!tpu.dma_semaphore, #tpu.memory_space<semaphore_mem>>
          %dma_start3A_52 = arith.constant 4992 : i32
          %dma_start3A_53 = arith.constant 0 : i32
          %dma_start3A_54 = tpu.memref_slice %arg16[%dma_start3A_52, %dma_start3A_53] : memref<5008x128xf32, #tpu.memory_space<vmem_shared>> -> memref<8x128xf32, #tpu.memory_space<vmem_shared>>
          %dma_start3A_55 = arith.constant 4992 : i32
          %dma_start3A_56 = arith.constant 0 : i32
          %dma_start3A_57 = tpu.memref_slice %arg5[%dma_start3A_55, %dma_start3A_56] : memref<5000x128xf32, #tpu.memory_space<hbm>> -> memref<8x128xf32, #tpu.memory_space<hbm>>
          tpu.enqueue_dma source(%dma_start3A_57 : memref<8x128xf32, #tpu.memory_space<hbm>>) target(%dma_start3A_54 : memref<8x128xf32, #tpu.memory_space<vmem_shared>>) target_semaphore(%run_scoped3A : memref<!tpu.dma_semaphore, #tpu.memory_space<semaphore_mem>>)
          %dma_wait3A_58 = arith.constant 4992 : i32
          %dma_wait3A_59 = arith.constant 0 : i32
          %dma_wait3A_60 = tpu.memref_slice %arg16[%dma_wait3A_58, %dma_wait3A_59] : memref<5008x128xf32, #tpu.memory_space<vmem_shared>> -> memref<8x128xf32, #tpu.memory_space<vmem_shared>>
          %dma_wait3A_61 = arith.constant 4992 : i32
          %dma_wait3A_62 = arith.constant 0 : i32
          %dma_wait3A_63 = tpu.memref_slice %arg5[%dma_wait3A_61, %dma_wait3A_62] : memref<5000x128xf32, #tpu.memory_space<hbm>> -> memref<8x128xf32, #tpu.memory_space<hbm>>
          tpu.wait_dma2 semaphore(%run_scoped3A : memref<!tpu.dma_semaphore, #tpu.memory_space<semaphore_mem>>) src(%dma_wait3A_63 : memref<8x128xf32, #tpu.memory_space<hbm>>) dst(%dma_wait3A_60 : memref<8x128xf32, #tpu.memory_space<vmem_shared>>)
          tpu.yield
        }) : () -> ()
      } else {
      }
      "tpu.region"() ({
        %run_scoped3A = tpu.sem_alloc : memref<!tpu.dma_semaphore, #tpu.memory_space<semaphore_mem>>
        %dma_start3A_52 = arith.constant 0 : i32
        %dma_start3A_53 = arith.constant 0 : i32
        %dma_start3A_54 = tpu.memref_slice %arg7[%arg1, %dma_start3A_52, %dma_start3A_53] : memref<16x250x80xi32, #tpu.memory_space<hbm>> -> memref<1x250x80xi32, #tpu.memory_space<hbm>>
        %dma_start3A_55 = tpu.memref_squeeze %dma_start3A_54 : memref<1x250x80xi32, #tpu.memory_space<hbm>> -> memref<250x80xi32, #tpu.memory_space<hbm>>
        %dma_start3A_56 = arith.constant 0 : i32
        %dma_start3A_57 = arith.constant 0 : i32
        %dma_start3A_58 = tpu.memref_slice %arg7[%arg1, %dma_start3A_56, %dma_start3A_57] : memref<16x250x80xi32, #tpu.memory_space<hbm>> -> memref<1x250x80xi32, #tpu.memory_space<hbm>>
        %dma_start3A_59 = tpu.memref_squeeze %dma_start3A_58 : memref<1x250x80xi32, #tpu.memory_space<hbm>> -> memref<250x80xi32, #tpu.memory_space<hbm>>
        tpu.enqueue_dma source(%dma_start3A_59 : memref<250x80xi32, #tpu.memory_space<hbm>>) target(%arg11 : memref<250x80xi32, #tpu.memory_space<vmem>>) target_semaphore(%run_scoped3A : memref<!tpu.dma_semaphore, #tpu.memory_space<semaphore_mem>>)
        %dma_wait3A_60 = arith.constant 0 : i32
        %dma_wait3A_61 = arith.constant 0 : i32
        %dma_wait3A_62 = tpu.memref_slice %arg7[%arg1, %dma_wait3A_60, %dma_wait3A_61] : memref<16x250x80xi32, #tpu.memory_space<hbm>> -> memref<1x250x80xi32, #tpu.memory_space<hbm>>
        %dma_wait3A_63 = tpu.memref_squeeze %dma_wait3A_62 : memref<1x250x80xi32, #tpu.memory_space<hbm>> -> memref<250x80xi32, #tpu.memory_space<hbm>>
        %dma_wait3A_64 = arith.constant 0 : i32
        %dma_wait3A_65 = arith.constant 0 : i32
        %dma_wait3A_66 = tpu.memref_slice %arg7[%arg1, %dma_wait3A_64, %dma_wait3A_65] : memref<16x250x80xi32, #tpu.memory_space<hbm>> -> memref<1x250x80xi32, #tpu.memory_space<hbm>>
        %dma_wait3A_67 = tpu.memref_squeeze %dma_wait3A_66 : memref<1x250x80xi32, #tpu.memory_space<hbm>> -> memref<250x80xi32, #tpu.memory_space<hbm>>
        tpu.wait_dma2 semaphore(%run_scoped3A : memref<!tpu.dma_semaphore, #tpu.memory_space<semaphore_mem>>) src(%dma_wait3A_67 : memref<250x80xi32, #tpu.memory_space<hbm>>) dst(%arg11 : memref<250x80xi32, #tpu.memory_space<vmem>>)
        tpu.yield
      }) : () -> ()
      "tpu.region"() ({
        %run_scoped3A = tpu.sem_alloc : memref<!tpu.dma_semaphore, #tpu.memory_space<semaphore_mem>>
        %dma_start3A_52 = arith.constant 0 : i32
        %dma_start3A_53 = arith.constant 0 : i32
        %dma_start3A_54 = tpu.memref_slice %arg8[%arg1, %dma_start3A_52, %dma_start3A_53] : memref<16x250x80xi32, #tpu.memory_space<hbm>> -> memref<1x250x80xi32, #tpu.memory_space<hbm>>
        %dma_start3A_55 = tpu.memref_squeeze %dma_start3A_54 : memref<1x250x80xi32, #tpu.memory_space<hbm>> -> memref<250x80xi32, #tpu.memory_space<hbm>>
        %dma_start3A_56 = arith.constant 0 : i32
        %dma_start3A_57 = arith.constant 0 : i32
        %dma_start3A_58 = tpu.memref_slice %arg8[%arg1, %dma_start3A_56, %dma_start3A_57] : memref<16x250x80xi32, #tpu.memory_space<hbm>> -> memref<1x250x80xi32, #tpu.memory_space<hbm>>
        %dma_start3A_59 = tpu.memref_squeeze %dma_start3A_58 : memref<1x250x80xi32, #tpu.memory_space<hbm>> -> memref<250x80xi32, #tpu.memory_space<hbm>>
        tpu.enqueue_dma source(%dma_start3A_59 : memref<250x80xi32, #tpu.memory_space<hbm>>) target(%arg12 : memref<250x80xi32, #tpu.memory_space<vmem>>) target_semaphore(%run_scoped3A : memref<!tpu.dma_semaphore, #tpu.memory_space<semaphore_mem>>)
        %dma_wait3A_60 = arith.constant 0 : i32
        %dma_wait3A_61 = arith.constant 0 : i32
        %dma_wait3A_62 = tpu.memref_slice %arg8[%arg1, %dma_wait3A_60, %dma_wait3A_61] : memref<16x250x80xi32, #tpu.memory_space<hbm>> -> memref<1x250x80xi32, #tpu.memory_space<hbm>>
        %dma_wait3A_63 = tpu.memref_squeeze %dma_wait3A_62 : memref<1x250x80xi32, #tpu.memory_space<hbm>> -> memref<250x80xi32, #tpu.memory_space<hbm>>
        %dma_wait3A_64 = arith.constant 0 : i32
        %dma_wait3A_65 = arith.constant 0 : i32
        %dma_wait3A_66 = tpu.memref_slice %arg8[%arg1, %dma_wait3A_64, %dma_wait3A_65] : memref<16x250x80xi32, #tpu.memory_space<hbm>> -> memref<1x250x80xi32, #tpu.memory_space<hbm>>
        %dma_wait3A_67 = tpu.memref_squeeze %dma_wait3A_66 : memref<1x250x80xi32, #tpu.memory_space<hbm>> -> memref<250x80xi32, #tpu.memory_space<hbm>>
        tpu.wait_dma2 semaphore(%run_scoped3A : memref<!tpu.dma_semaphore, #tpu.memory_space<semaphore_mem>>) src(%dma_wait3A_67 : memref<250x80xi32, #tpu.memory_space<hbm>>) dst(%arg12 : memref<250x80xi32, #tpu.memory_space<vmem>>)
        tpu.yield
      }) : () -> ()
      %barrier3A = arith.constant 0 : index
      tpu.barrier barrier_id(%barrier3A)
      %dma_start3A = arith.constant 0 : i32
      %dma_start3A_17 = arith.constant 0 : i32
      %dma_start3A_18 = tpu.memref_slice %arg11[%dma_start3A, %dma_start3A_17] : memref<250x80xi32, #tpu.memory_space<vmem>> -> memref<1x80xi32, #tpu.memory_space<vmem>>
      %dma_start3A_19 = tpu.memref_squeeze %dma_start3A_18 : memref<1x80xi32, #tpu.memory_space<vmem>> -> memref<80xi32, #tpu.memory_space<vmem>>
      %dma_start3A_20 = arith.constant 0 : i32
      %dma_start3A_21 = arith.constant 0 : i32
      %dma_start3A_22 = tpu.memref_slice %arg3[%dma_start3A_20, %dma_start3A_21] : memref<10000x128xf32, #tpu.memory_space<hbm>> -> memref<10000x128xf32, #tpu.memory_space<hbm>>
      tpu.enqueue_indirect_dma source(%dma_start3A_22 : memref<10000x128xf32, #tpu.memory_space<hbm>>) target(%arg13 : memref<80x128xf32, #tpu.memory_space<vmem>>) offsets(%dma_start3A_19 : memref<80xi32, #tpu.memory_space<vmem>>) semaphore(%arg17 : memref<!tpu.dma_semaphore, #tpu.memory_space<semaphore_mem>>)
      %scan3A = arith.constant 0 : i32
      %scan3A_23 = arith.constant 0 : i32
      %scan3A_24 = arith.constant 125 : i32
      %scan3A_25 = arith.addi %scan3A_23, %scan3A_24 : i32
      %scan3A_26 = arith.constant 1 : i32
      %scan3A_27 = scf.for %scan3A_52 = %scan3A_23 to %scan3A_25 step %scan3A_26 iter_args(%scan3A_53 = %scan3A) -> (i32)  : i32 {
        %mul3A_54 = arith.constant 2 : i32
        %mul3A_55 = arith.muli %mul3A_54, %scan3A_52 : i32
        %add3A = arith.constant 0 : i32
        %add3A_56 = arith.addi %mul3A_55, %add3A : i32
        %get3A_57 = arith.index_cast %add3A_56 : i32 to index
        %get3A_58 = arith.constant 0 : index
        %get3A_59 = tpu.vector_load %arg12[%get3A_57, %get3A_58] {strides = array<i32>} : memref<250x80xi32, #tpu.memory_space<vmem>>, vector<1x16xi32>,
        %get3A_60 = vector.shape_cast %get3A_59 : vector<1x16xi32> to vector<16xi32>
        %ge3A = arith.cmpi sge, %get3A_60, %get3A_1 : vector<16xi32>
        %add3A_61 = arith.constant 5000 : i32
        %add3A_62 = vector.broadcast %add3A_61 : i32 to vector<16xi32>
        %add3A_63 = arith.addi %get3A_1, %add3A_62 : vector<16xi32>
        %lt3A = arith.cmpi slt, %get3A_60, %add3A_63 : vector<16xi32>
        %and3A = arith.andi %ge3A, %lt3A : vector<16xi1>
        %sub3A = arith.subi %get3A_60, %get3A_1 : vector<16xi32>
        %and3A_64 = arith.constant 7 : i32
        %and3A_65 = vector.broadcast %and3A_64 : i32 to vector<16xi32>
        %and3A_66 = arith.andi %get3A_60, %and3A_65 : vector<16xi32>
        %add3A_67 = arith.constant 5000 : i32
        %add3A_68 = vector.broadcast %add3A_67 : i32 to vector<16xi32>
        %add3A_69 = arith.addi %add3A_68, %and3A_66 : vector<16xi32>
        %select_n3A = arith.select %and3A, %sub3A, %add3A_69 : vector<16xi1>, vector<16xi32>
        %swap3A = arith.index_cast %add3A_56 : i32 to index
        %swap3A_70 = arith.constant 0 : index
        %swap3A_71 = tpu.vector_load %arg12[%swap3A, %swap3A_70] {strides = array<i32>} : memref<250x80xi32, #tpu.memory_space<vmem>>, vector<1x16xi32>,
        %swap3A_72 = vector.shape_cast %swap3A_71 : vector<1x16xi32> to vector<16xi32>
        %swap3A_73 = vector.shape_cast %select_n3A : vector<16xi32> to vector<1x16xi32>
        tpu.vector_store %arg12[%swap3A, %swap3A_70], %swap3A_73 {strides = array<i32>} : memref<250x80xi32, #tpu.memory_space<vmem>>, vector<1x16xi32>,
        %get3A_74 = arith.index_cast %add3A_56 : i32 to index
        %get3A_75 = arith.constant 16 : index
        %get3A_76 = tpu.vector_load %arg12[%get3A_74, %get3A_75] {strides = array<i32>} : memref<250x80xi32, #tpu.memory_space<vmem>>, vector<1x16xi32>,
        %get3A_77 = vector.shape_cast %get3A_76 : vector<1x16xi32> to vector<16xi32>
        %ge3A_78 = arith.cmpi sge, %get3A_77, %get3A_1 : vector<16xi32>
        %add3A_79 = arith.constant 5000 : i32
        %add3A_80 = vector.broadcast %add3A_79 : i32 to vector<16xi32>
        %add3A_81 = arith.addi %get3A_1, %add3A_80 : vector<16xi32>
        %lt3A_82 = arith.cmpi slt, %get3A_77, %add3A_81 : vector<16xi32>
        %and3A_83 = arith.andi %ge3A_78, %lt3A_82 : vector<16xi1>
        %sub3A_84 = arith.subi %get3A_77, %get3A_1 : vector<16xi32>
        %and3A_85 = arith.constant 7 : i32
        %and3A_86 = vector.broadcast %and3A_85 : i32 to vector<16xi32>
        %and3A_87 = arith.andi %get3A_77, %and3A_86 : vector<16xi32>
        %add3A_88 = arith.constant 5000 : i32
        %add3A_89 = vector.broadcast %add3A_88 : i32 to vector<16xi32>
        %add3A_90 = arith.addi %add3A_89, %and3A_87 : vector<16xi32>
        %select_n3A_91 = arith.select %and3A_83, %sub3A_84, %add3A_90 : vector<16xi1>, vector<16xi32>
        %swap3A_92 = arith.index_cast %add3A_56 : i32 to index
        %swap3A_93 = arith.constant 16 : index
        %swap3A_94 = tpu.vector_load %arg12[%swap3A_92, %swap3A_93] {strides = array<i32>} : memref<250x80xi32, #tpu.memory_space<vmem>>, vector<1x16xi32>,
        %swap3A_95 = vector.shape_cast %swap3A_94 : vector<1x16xi32> to vector<16xi32>
        %swap3A_96 = vector.shape_cast %select_n3A_91 : vector<16xi32> to vector<1x16xi32>
        tpu.vector_store %arg12[%swap3A_92, %swap3A_93], %swap3A_96 {strides = array<i32>} : memref<250x80xi32, #tpu.memory_space<vmem>>, vector<1x16xi32>,
        %get3A_97 = arith.index_cast %add3A_56 : i32 to index
        %get3A_98 = arith.constant 32 : index
        %get3A_99 = tpu.vector_load %arg12[%get3A_97, %get3A_98] {strides = array<i32>} : memref<250x80xi32, #tpu.memory_space<vmem>>, vector<1x16xi32>,
        %get3A_100 = vector.shape_cast %get3A_99 : vector<1x16xi32> to vector<16xi32>
        %ge3A_101 = arith.cmpi sge, %get3A_100, %get3A_1 : vector<16xi32>
        %add3A_102 = arith.constant 5000 : i32
        %add3A_103 = vector.broadcast %add3A_102 : i32 to vector<16xi32>
        %add3A_104 = arith.addi %get3A_1, %add3A_103 : vector<16xi32>
        %lt3A_105 = arith.cmpi slt, %get3A_100, %add3A_104 : vector<16xi32>
        %and3A_106 = arith.andi %ge3A_101, %lt3A_105 : vector<16xi1>
        %sub3A_107 = arith.subi %get3A_100, %get3A_1 : vector<16xi32>
        %and3A_108 = arith.constant 7 : i32
        %and3A_109 = vector.broadcast %and3A_108 : i32 to vector<16xi32>
        %and3A_110 = arith.andi %get3A_100, %and3A_109 : vector<16xi32>
        %add3A_111 = arith.constant 5000 : i32
        %add3A_112 = vector.broadcast %add3A_111 : i32 to vector<16xi32>
        %add3A_113 = arith.addi %add3A_112, %and3A_110 : vector<16xi32>
        %select_n3A_114 = arith.select %and3A_106, %sub3A_107, %add3A_113 : vector<16xi1>, vector<16xi32>
        %swap3A_115 = arith.index_cast %add3A_56 : i32 to index
        %swap3A_116 = arith.constant 32 : index
        %swap3A_117 = tpu.vector_load %arg12[%swap3A_115, %swap3A_116] {strides = array<i32>} : memref<250x80xi32, #tpu.memory_space<vmem>>, vector<1x16xi32>,
        %swap3A_118 = vector.shape_cast %swap3A_117 : vector<1x16xi32> to vector<16xi32>
        %swap3A_119 = vector.shape_cast %select_n3A_114 : vector<16xi32> to vector<1x16xi32>
        tpu.vector_store %arg12[%swap3A_115, %swap3A_116], %swap3A_119 {strides = array<i32>} : memref<250x80xi32, #tpu.memory_space<vmem>>, vector<1x16xi32>,
        %get3A_120 = arith.index_cast %add3A_56 : i32 to index
        %get3A_121 = arith.constant 48 : index
        %get3A_122 = tpu.vector_load %arg12[%get3A_120, %get3A_121] {strides = array<i32>} : memref<250x80xi32, #tpu.memory_space<vmem>>, vector<1x16xi32>,
        %get3A_123 = vector.shape_cast %get3A_122 : vector<1x16xi32> to vector<16xi32>
        %ge3A_124 = arith.cmpi sge, %get3A_123, %get3A_1 : vector<16xi32>
        %add3A_125 = arith.constant 5000 : i32
        %add3A_126 = vector.broadcast %add3A_125 : i32 to vector<16xi32>
        %add3A_127 = arith.addi %get3A_1, %add3A_126 : vector<16xi32>
        %lt3A_128 = arith.cmpi slt, %get3A_123, %add3A_127 : vector<16xi32>
        %and3A_129 = arith.andi %ge3A_124, %lt3A_128 : vector<16xi1>
        %sub3A_130 = arith.subi %get3A_123, %get3A_1 : vector<16xi32>
        %and3A_131 = arith.constant 7 : i32
        %and3A_132 = vector.broadcast %and3A_131 : i32 to vector<16xi32>
        %and3A_133 = arith.andi %get3A_123, %and3A_132 : vector<16xi32>
        %add3A_134 = arith.constant 5000 : i32
        %add3A_135 = vector.broadcast %add3A_134 : i32 to vector<16xi32>
        %add3A_136 = arith.addi %add3A_135, %and3A_133 : vector<16xi32>
        %select_n3A_137 = arith.select %and3A_129, %sub3A_130, %add3A_136 : vector<16xi1>, vector<16xi32>
        %swap3A_138 = arith.index_cast %add3A_56 : i32 to index
        %swap3A_139 = arith.constant 48 : index
        %swap3A_140 = tpu.vector_load %arg12[%swap3A_138, %swap3A_139] {strides = array<i32>} : memref<250x80xi32, #tpu.memory_space<vmem>>, vector<1x16xi32>,
        %swap3A_141 = vector.shape_cast %swap3A_140 : vector<1x16xi32> to vector<16xi32>
        %swap3A_142 = vector.shape_cast %select_n3A_137 : vector<16xi32> to vector<1x16xi32>
        tpu.vector_store %arg12[%swap3A_138, %swap3A_139], %swap3A_142 {strides = array<i32>} : memref<250x80xi32, #tpu.memory_space<vmem>>, vector<1x16xi32>,
        %get3A_143 = arith.index_cast %add3A_56 : i32 to index
        %get3A_144 = arith.constant 64 : index
        %get3A_145 = tpu.vector_load %arg12[%get3A_143, %get3A_144] {strides = array<i32>} : memref<250x80xi32, #tpu.memory_space<vmem>>, vector<1x16xi32>,
        %get3A_146 = vector.shape_cast %get3A_145 : vector<1x16xi32> to vector<16xi32>
        %ge3A_147 = arith.cmpi sge, %get3A_146, %get3A_1 : vector<16xi32>
        %add3A_148 = arith.constant 5000 : i32
        %add3A_149 = vector.broadcast %add3A_148 : i32 to vector<16xi32>
        %add3A_150 = arith.addi %get3A_1, %add3A_149 : vector<16xi32>
        %lt3A_151 = arith.cmpi slt, %get3A_146, %add3A_150 : vector<16xi32>
        %and3A_152 = arith.andi %ge3A_147, %lt3A_151 : vector<16xi1>
        %sub3A_153 = arith.subi %get3A_146, %get3A_1 : vector<16xi32>
        %and3A_154 = arith.constant 7 : i32
        %and3A_155 = vector.broadcast %and3A_154 : i32 to vector<16xi32>
        %and3A_156 = arith.andi %get3A_146, %and3A_155 : vector<16xi32>
        %add3A_157 = arith.constant 5000 : i32
        %add3A_158 = vector.broadcast %add3A_157 : i32 to vector<16xi32>
        %add3A_159 = arith.addi %add3A_158, %and3A_156 : vector<16xi32>
        %select_n3A_160 = arith.select %and3A_152, %sub3A_153, %add3A_159 : vector<16xi1>, vector<16xi32>
        %swap3A_161 = arith.index_cast %add3A_56 : i32 to index
        %swap3A_162 = arith.constant 64 : index
        %swap3A_163 = tpu.vector_load %arg12[%swap3A_161, %swap3A_162] {strides = array<i32>} : memref<250x80xi32, #tpu.memory_space<vmem>>, vector<1x16xi32>,
        %swap3A_164 = vector.shape_cast %swap3A_163 : vector<1x16xi32> to vector<16xi32>
        %swap3A_165 = vector.shape_cast %select_n3A_160 : vector<16xi32> to vector<1x16xi32>
        tpu.vector_store %arg12[%swap3A_161, %swap3A_162], %swap3A_165 {strides = array<i32>} : memref<250x80xi32, #tpu.memory_space<vmem>>, vector<1x16xi32>,
        %dma_wait3A_166 = arith.constant 0 : i32
        %dma_wait3A_167 = tpu.memref_slice %arg11[%add3A_56, %dma_wait3A_166] : memref<250x80xi32, #tpu.memory_space<vmem>> -> memref<1x80xi32, #tpu.memory_space<vmem>>
        %dma_wait3A_168 = tpu.memref_squeeze %dma_wait3A_167 : memref<1x80xi32, #tpu.memory_space<vmem>> -> memref<80xi32, #tpu.memory_space<vmem>>
        %dma_wait3A_169 = arith.constant 0 : i32
        %dma_wait3A_170 = arith.constant 0 : i32
        %dma_wait3A_171 = tpu.memref_slice %arg3[%dma_wait3A_169, %dma_wait3A_170] : memref<10000x128xf32, #tpu.memory_space<hbm>> -> memref<10000x128xf32, #tpu.memory_space<hbm>>
        tpu.wait_indirect_dma semaphore(%arg17 : memref<!tpu.dma_semaphore, #tpu.memory_space<semaphore_mem>>) src(%dma_wait3A_171 : memref<10000x128xf32, #tpu.memory_space<hbm>>) dst(%arg13 : memref<80x128xf32, #tpu.memory_space<vmem>>)
        %dma_start3A_172 = arith.constant 0 : i32
        %dma_start3A_173 = tpu.memref_slice %arg12[%add3A_56, %dma_start3A_172] : memref<250x80xi32, #tpu.memory_space<vmem>> -> memref<1x80xi32, #tpu.memory_space<vmem>>
        %dma_start3A_174 = tpu.memref_squeeze %dma_start3A_173 : memref<1x80xi32, #tpu.memory_space<vmem>> -> memref<80xi32, #tpu.memory_space<vmem>>
        %dma_start3A_175 = arith.constant 0 : i32
        %dma_start3A_176 = arith.constant 0 : i32
        %dma_start3A_177 = tpu.memref_slice %arg16[%dma_start3A_175, %dma_start3A_176] : memref<5008x128xf32, #tpu.memory_space<vmem_shared>> -> memref<5008x128xf32, #tpu.memory_space<vmem_shared>>
        tpu.enqueue_indirect_dma source(%arg13 : memref<80x128xf32, #tpu.memory_space<vmem>>) target(%dma_start3A_177 : memref<5008x128xf32, #tpu.memory_space<vmem_shared>>) offsets(%dma_start3A_174 : memref<80xi32, #tpu.memory_space<vmem>>) semaphore(%arg19 : memref<!tpu.dma_semaphore, #tpu.memory_space<semaphore_mem>>) {add = true}
        %add3A_178 = arith.constant 2 : i32
        %add3A_179 = arith.addi %add3A_56, %add3A_178 : i32
        %sub3A_180 = arith.constant 1 : i32
        %sub3A_181 = arith.subi %add3A_179, %sub3A_180 : i32
        %lt3A_182 = arith.constant 250 : i32
        %lt3A_183 = arith.cmpi slt, %sub3A_181, %lt3A_182 : i32
        %convert_element_type3A_184 = arith.extui %lt3A_183 : i1 to i32
        %cond3A_185 = arith.constant 0 : i32
        %cond3A_186 = arith.cmpi ne, %convert_element_type3A_184, %cond3A_185 : i32
        scf.if %cond3A_186 {
          %ge3A_328 = arith.constant 1 : i32
          %ge3A_329 = arith.cmpi sge, %add3A_56, %ge3A_328 : i32
          %convert_element_type3A_330 = arith.extui %ge3A_329 : i1 to i32
          %cond3A_331 = arith.constant 0 : i32
          %cond3A_332 = arith.cmpi ne, %convert_element_type3A_330, %cond3A_331 : i32
          scf.if %cond3A_332 {
            %sub3A_339 = arith.constant 1 : i32
            %sub3A_340 = arith.subi %add3A_56, %sub3A_339 : i32
            %dma_wait3A_341 = arith.constant 0 : i32
            %dma_wait3A_342 = tpu.memref_slice %arg12[%sub3A_340, %dma_wait3A_341] : memref<250x80xi32, #tpu.memory_space<vmem>> -> memref<1x80xi32, #tpu.memory_space<vmem>>
            %dma_wait3A_343 = tpu.memref_squeeze %dma_wait3A_342 : memref<1x80xi32, #tpu.memory_space<vmem>> -> memref<80xi32, #tpu.memory_space<vmem>>
            %dma_wait3A_344 = arith.constant 0 : i32
            %dma_wait3A_345 = arith.constant 0 : i32
            %dma_wait3A_346 = tpu.memref_slice %arg16[%dma_wait3A_344, %dma_wait3A_345] : memref<5008x128xf32, #tpu.memory_space<vmem_shared>> -> memref<5008x128xf32, #tpu.memory_space<vmem_shared>>
            tpu.wait_indirect_dma semaphore(%arg20 : memref<!tpu.dma_semaphore, #tpu.memory_space<semaphore_mem>>) src(%arg14 : memref<80x128xf32, #tpu.memory_space<vmem>>) dst(%dma_wait3A_346 : memref<5008x128xf32, #tpu.memory_space<vmem_shared>>)
          } else {
          }
          %dma_start3A_333 = arith.constant 0 : i32
          %dma_start3A_334 = tpu.memref_slice %arg11[%sub3A_181, %dma_start3A_333] : memref<250x80xi32, #tpu.memory_space<vmem>> -> memref<1x80xi32, #tpu.memory_space<vmem>>
          %dma_start3A_335 = tpu.memref_squeeze %dma_start3A_334 : memref<1x80xi32, #tpu.memory_space<vmem>> -> memref<80xi32, #tpu.memory_space<vmem>>
          %dma_start3A_336 = arith.constant 0 : i32
          %dma_start3A_337 = arith.constant 0 : i32
          %dma_start3A_338 = tpu.memref_slice %arg3[%dma_start3A_336, %dma_start3A_337] : memref<10000x128xf32, #tpu.memory_space<hbm>> -> memref<10000x128xf32, #tpu.memory_space<hbm>>
          tpu.enqueue_indirect_dma source(%dma_start3A_338 : memref<10000x128xf32, #tpu.memory_space<hbm>>) target(%arg14 : memref<80x128xf32, #tpu.memory_space<vmem>>) offsets(%dma_start3A_335 : memref<80xi32, #tpu.memory_space<vmem>>) semaphore(%arg18 : memref<!tpu.dma_semaphore, #tpu.memory_space<semaphore_mem>>)
        } else {
        }
        %mul3A_187 = arith.constant 2 : i32
        %mul3A_188 = arith.muli %mul3A_187, %scan3A_52 : i32
        %add3A_189 = arith.constant 1 : i32
        %add3A_190 = arith.addi %mul3A_188, %add3A_189 : i32
        %get3A_191 = arith.index_cast %add3A_190 : i32 to index
        %get3A_192 = arith.constant 0 : index
        %get3A_193 = tpu.vector_load %arg12[%get3A_191, %get3A_192] {strides = array<i32>} : memref<250x80xi32, #tpu.memory_space<vmem>>, vector<1x16xi32>,
        %get3A_194 = vector.shape_cast %get3A_193 : vector<1x16xi32> to vector<16xi32>
        %ge3A_195 = arith.cmpi sge, %get3A_194, %get3A_1 : vector<16xi32>
        %add3A_196 = arith.constant 5000 : i32
        %add3A_197 = vector.broadcast %add3A_196 : i32 to vector<16xi32>
        %add3A_198 = arith.addi %get3A_1, %add3A_197 : vector<16xi32>
        %lt3A_199 = arith.cmpi slt, %get3A_194, %add3A_198 : vector<16xi32>
        %and3A_200 = arith.andi %ge3A_195, %lt3A_199 : vector<16xi1>
        %sub3A_201 = arith.subi %get3A_194, %get3A_1 : vector<16xi32>
        %and3A_202 = arith.constant 7 : i32
        %and3A_203 = vector.broadcast %and3A_202 : i32 to vector<16xi32>
        %and3A_204 = arith.andi %get3A_194, %and3A_203 : vector<16xi32>
        %add3A_205 = arith.constant 5000 : i32
        %add3A_206 = vector.broadcast %add3A_205 : i32 to vector<16xi32>
        %add3A_207 = arith.addi %add3A_206, %and3A_204 : vector<16xi32>
        %select_n3A_208 = arith.select %and3A_200, %sub3A_201, %add3A_207 : vector<16xi1>, vector<16xi32>
        %swap3A_209 = arith.index_cast %add3A_190 : i32 to index
        %swap3A_210 = arith.constant 0 : index
        %swap3A_211 = tpu.vector_load %arg12[%swap3A_209, %swap3A_210] {strides = array<i32>} : memref<250x80xi32, #tpu.memory_space<vmem>>, vector<1x16xi32>,
        %swap3A_212 = vector.shape_cast %swap3A_211 : vector<1x16xi32> to vector<16xi32>
        %swap3A_213 = vector.shape_cast %select_n3A_208 : vector<16xi32> to vector<1x16xi32>
        tpu.vector_store %arg12[%swap3A_209, %swap3A_210], %swap3A_213 {strides = array<i32>} : memref<250x80xi32, #tpu.memory_space<vmem>>, vector<1x16xi32>,
        %get3A_214 = arith.index_cast %add3A_190 : i32 to index
        %get3A_215 = arith.constant 16 : index
        %get3A_216 = tpu.vector_load %arg12[%get3A_214, %get3A_215] {strides = array<i32>} : memref<250x80xi32, #tpu.memory_space<vmem>>, vector<1x16xi32>,
        %get3A_217 = vector.shape_cast %get3A_216 : vector<1x16xi32> to vector<16xi32>
        %ge3A_218 = arith.cmpi sge, %get3A_217, %get3A_1 : vector<16xi32>
        %add3A_219 = arith.constant 5000 : i32
        %add3A_220 = vector.broadcast %add3A_219 : i32 to vector<16xi32>
        %add3A_221 = arith.addi %get3A_1, %add3A_220 : vector<16xi32>
        %lt3A_222 = arith.cmpi slt, %get3A_217, %add3A_221 : vector<16xi32>
        %and3A_223 = arith.andi %ge3A_218, %lt3A_222 : vector<16xi1>
        %sub3A_224 = arith.subi %get3A_217, %get3A_1 : vector<16xi32>
        %and3A_225 = arith.constant 7 : i32
        %and3A_226 = vector.broadcast %and3A_225 : i32 to vector<16xi32>
        %and3A_227 = arith.andi %get3A_217, %and3A_226 : vector<16xi32>
        %add3A_228 = arith.constant 5000 : i32
        %add3A_229 = vector.broadcast %add3A_228 : i32 to vector<16xi32>
        %add3A_230 = arith.addi %add3A_229, %and3A_227 : vector<16xi32>
        %select_n3A_231 = arith.select %and3A_223, %sub3A_224, %add3A_230 : vector<16xi1>, vector<16xi32>
        %swap3A_232 = arith.index_cast %add3A_190 : i32 to index
        %swap3A_233 = arith.constant 16 : index
        %swap3A_234 = tpu.vector_load %arg12[%swap3A_232, %swap3A_233] {strides = array<i32>} : memref<250x80xi32, #tpu.memory_space<vmem>>, vector<1x16xi32>,
        %swap3A_235 = vector.shape_cast %swap3A_234 : vector<1x16xi32> to vector<16xi32>
        %swap3A_236 = vector.shape_cast %select_n3A_231 : vector<16xi32> to vector<1x16xi32>
        tpu.vector_store %arg12[%swap3A_232, %swap3A_233], %swap3A_236 {strides = array<i32>} : memref<250x80xi32, #tpu.memory_space<vmem>>, vector<1x16xi32>,
        %get3A_237 = arith.index_cast %add3A_190 : i32 to index
        %get3A_238 = arith.constant 32 : index
        %get3A_239 = tpu.vector_load %arg12[%get3A_237, %get3A_238] {strides = array<i32>} : memref<250x80xi32, #tpu.memory_space<vmem>>, vector<1x16xi32>,
        %get3A_240 = vector.shape_cast %get3A_239 : vector<1x16xi32> to vector<16xi32>
        %ge3A_241 = arith.cmpi sge, %get3A_240, %get3A_1 : vector<16xi32>
        %add3A_242 = arith.constant 5000 : i32
        %add3A_243 = vector.broadcast %add3A_242 : i32 to vector<16xi32>
        %add3A_244 = arith.addi %get3A_1, %add3A_243 : vector<16xi32>
        %lt3A_245 = arith.cmpi slt, %get3A_240, %add3A_244 : vector<16xi32>
        %and3A_246 = arith.andi %ge3A_241, %lt3A_245 : vector<16xi1>
        %sub3A_247 = arith.subi %get3A_240, %get3A_1 : vector<16xi32>
        %and3A_248 = arith.constant 7 : i32
        %and3A_249 = vector.broadcast %and3A_248 : i32 to vector<16xi32>
        %and3A_250 = arith.andi %get3A_240, %and3A_249 : vector<16xi32>
        %add3A_251 = arith.constant 5000 : i32
        %add3A_252 = vector.broadcast %add3A_251 : i32 to vector<16xi32>
        %add3A_253 = arith.addi %add3A_252, %and3A_250 : vector<16xi32>
        %select_n3A_254 = arith.select %and3A_246, %sub3A_247, %add3A_253 : vector<16xi1>, vector<16xi32>
        %swap3A_255 = arith.index_cast %add3A_190 : i32 to index
        %swap3A_256 = arith.constant 32 : index
        %swap3A_257 = tpu.vector_load %arg12[%swap3A_255, %swap3A_256] {strides = array<i32>} : memref<250x80xi32, #tpu.memory_space<vmem>>, vector<1x16xi32>,
        %swap3A_258 = vector.shape_cast %swap3A_257 : vector<1x16xi32> to vector<16xi32>
        %swap3A_259 = vector.shape_cast %select_n3A_254 : vector<16xi32> to vector<1x16xi32>
        tpu.vector_store %arg12[%swap3A_255, %swap3A_256], %swap3A_259 {strides = array<i32>} : memref<250x80xi32, #tpu.memory_space<vmem>>, vector<1x16xi32>,
        %get3A_260 = arith.index_cast %add3A_190 : i32 to index
        %get3A_261 = arith.constant 48 : index
        %get3A_262 = tpu.vector_load %arg12[%get3A_260, %get3A_261] {strides = array<i32>} : memref<250x80xi32, #tpu.memory_space<vmem>>, vector<1x16xi32>,
        %get3A_263 = vector.shape_cast %get3A_262 : vector<1x16xi32> to vector<16xi32>
        %ge3A_264 = arith.cmpi sge, %get3A_263, %get3A_1 : vector<16xi32>
        %add3A_265 = arith.constant 5000 : i32
        %add3A_266 = vector.broadcast %add3A_265 : i32 to vector<16xi32>
        %add3A_267 = arith.addi %get3A_1, %add3A_266 : vector<16xi32>
        %lt3A_268 = arith.cmpi slt, %get3A_263, %add3A_267 : vector<16xi32>
        %and3A_269 = arith.andi %ge3A_264, %lt3A_268 : vector<16xi1>
        %sub3A_270 = arith.subi %get3A_263, %get3A_1 : vector<16xi32>
        %and3A_271 = arith.constant 7 : i32
        %and3A_272 = vector.broadcast %and3A_271 : i32 to vector<16xi32>
        %and3A_273 = arith.andi %get3A_263, %and3A_272 : vector<16xi32>
        %add3A_274 = arith.constant 5000 : i32
        %add3A_275 = vector.broadcast %add3A_274 : i32 to vector<16xi32>
        %add3A_276 = arith.addi %add3A_275, %and3A_273 : vector<16xi32>
        %select_n3A_277 = arith.select %and3A_269, %sub3A_270, %add3A_276 : vector<16xi1>, vector<16xi32>
        %swap3A_278 = arith.index_cast %add3A_190 : i32 to index
        %swap3A_279 = arith.constant 48 : index
        %swap3A_280 = tpu.vector_load %arg12[%swap3A_278, %swap3A_279] {strides = array<i32>} : memref<250x80xi32, #tpu.memory_space<vmem>>, vector<1x16xi32>,
        %swap3A_281 = vector.shape_cast %swap3A_280 : vector<1x16xi32> to vector<16xi32>
        %swap3A_282 = vector.shape_cast %select_n3A_277 : vector<16xi32> to vector<1x16xi32>
        tpu.vector_store %arg12[%swap3A_278, %swap3A_279], %swap3A_282 {strides = array<i32>} : memref<250x80xi32, #tpu.memory_space<vmem>>, vector<1x16xi32>,
        %get3A_283 = arith.index_cast %add3A_190 : i32 to index
        %get3A_284 = arith.constant 64 : index
        %get3A_285 = tpu.vector_load %arg12[%get3A_283, %get3A_284] {strides = array<i32>} : memref<250x80xi32, #tpu.memory_space<vmem>>, vector<1x16xi32>,
        %get3A_286 = vector.shape_cast %get3A_285 : vector<1x16xi32> to vector<16xi32>
        %ge3A_287 = arith.cmpi sge, %get3A_286, %get3A_1 : vector<16xi32>
        %add3A_288 = arith.constant 5000 : i32
        %add3A_289 = vector.broadcast %add3A_288 : i32 to vector<16xi32>
        %add3A_290 = arith.addi %get3A_1, %add3A_289 : vector<16xi32>
        %lt3A_291 = arith.cmpi slt, %get3A_286, %add3A_290 : vector<16xi32>
        %and3A_292 = arith.andi %ge3A_287, %lt3A_291 : vector<16xi1>
        %sub3A_293 = arith.subi %get3A_286, %get3A_1 : vector<16xi32>
        %and3A_294 = arith.constant 7 : i32
        %and3A_295 = vector.broadcast %and3A_294 : i32 to vector<16xi32>
        %and3A_296 = arith.andi %get3A_286, %and3A_295 : vector<16xi32>
        %add3A_297 = arith.constant 5000 : i32
        %add3A_298 = vector.broadcast %add3A_297 : i32 to vector<16xi32>
        %add3A_299 = arith.addi %add3A_298, %and3A_296 : vector<16xi32>
        %select_n3A_300 = arith.select %and3A_292, %sub3A_293, %add3A_299 : vector<16xi1>, vector<16xi32>
        %swap3A_301 = arith.index_cast %add3A_190 : i32 to index
        %swap3A_302 = arith.constant 64 : index
        %swap3A_303 = tpu.vector_load %arg12[%swap3A_301, %swap3A_302] {strides = array<i32>} : memref<250x80xi32, #tpu.memory_space<vmem>>, vector<1x16xi32>,
        %swap3A_304 = vector.shape_cast %swap3A_303 : vector<1x16xi32> to vector<16xi32>
        %swap3A_305 = vector.shape_cast %select_n3A_300 : vector<16xi32> to vector<1x16xi32>
        tpu.vector_store %arg12[%swap3A_301, %swap3A_302], %swap3A_305 {strides = array<i32>} : memref<250x80xi32, #tpu.memory_space<vmem>>, vector<1x16xi32>,
        %dma_wait3A_306 = arith.constant 0 : i32
        %dma_wait3A_307 = tpu.memref_slice %arg11[%add3A_190, %dma_wait3A_306] : memref<250x80xi32, #tpu.memory_space<vmem>> -> memref<1x80xi32, #tpu.memory_space<vmem>>
        %dma_wait3A_308 = tpu.memref_squeeze %dma_wait3A_307 : memref<1x80xi32, #tpu.memory_space<vmem>> -> memref<80xi32, #tpu.memory_space<vmem>>
        %dma_wait3A_309 = arith.constant 0 : i32
        %dma_wait3A_310 = arith.constant 0 : i32
        %dma_wait3A_311 = tpu.memref_slice %arg3[%dma_wait3A_309, %dma_wait3A_310] : memref<10000x128xf32, #tpu.memory_space<hbm>> -> memref<10000x128xf32, #tpu.memory_space<hbm>>
        tpu.wait_indirect_dma semaphore(%arg18 : memref<!tpu.dma_semaphore, #tpu.memory_space<semaphore_mem>>) src(%dma_wait3A_311 : memref<10000x128xf32, #tpu.memory_space<hbm>>) dst(%arg14 : memref<80x128xf32, #tpu.memory_space<vmem>>)
        %dma_start3A_312 = arith.constant 0 : i32
        %dma_start3A_313 = tpu.memref_slice %arg12[%add3A_190, %dma_start3A_312] : memref<250x80xi32, #tpu.memory_space<vmem>> -> memref<1x80xi32, #tpu.memory_space<vmem>>
        %dma_start3A_314 = tpu.memref_squeeze %dma_start3A_313 : memref<1x80xi32, #tpu.memory_space<vmem>> -> memref<80xi32, #tpu.memory_space<vmem>>
        %dma_start3A_315 = arith.constant 0 : i32
        %dma_start3A_316 = arith.constant 0 : i32
        %dma_start3A_317 = tpu.memref_slice %arg16[%dma_start3A_315, %dma_start3A_316] : memref<5008x128xf32, #tpu.memory_space<vmem_shared>> -> memref<5008x128xf32, #tpu.memory_space<vmem_shared>>
        tpu.enqueue_indirect_dma source(%arg14 : memref<80x128xf32, #tpu.memory_space<vmem>>) target(%dma_start3A_317 : memref<5008x128xf32, #tpu.memory_space<vmem_shared>>) offsets(%dma_start3A_314 : memref<80xi32, #tpu.memory_space<vmem>>) semaphore(%arg20 : memref<!tpu.dma_semaphore, #tpu.memory_space<semaphore_mem>>) {add = true}
        %add3A_318 = arith.constant 2 : i32
        %add3A_319 = arith.addi %add3A_190, %add3A_318 : i32
        %sub3A_320 = arith.constant 1 : i32
        %sub3A_321 = arith.subi %add3A_319, %sub3A_320 : i32
        %lt3A_322 = arith.constant 250 : i32
        %lt3A_323 = arith.cmpi slt, %sub3A_321, %lt3A_322 : i32
        %convert_element_type3A_324 = arith.extui %lt3A_323 : i1 to i32
        %cond3A_325 = arith.constant 0 : i32
        %cond3A_326 = arith.cmpi ne, %convert_element_type3A_324, %cond3A_325 : i32
        scf.if %cond3A_326 {
          %ge3A_328 = arith.constant 1 : i32
          %ge3A_329 = arith.cmpi sge, %add3A_190, %ge3A_328 : i32
          %convert_element_type3A_330 = arith.extui %ge3A_329 : i1 to i32
          %cond3A_331 = arith.constant 0 : i32
          %cond3A_332 = arith.cmpi ne, %convert_element_type3A_330, %cond3A_331 : i32
          scf.if %cond3A_332 {
            %sub3A_339 = arith.constant 1 : i32
            %sub3A_340 = arith.subi %add3A_190, %sub3A_339 : i32
            %dma_wait3A_341 = arith.constant 0 : i32
            %dma_wait3A_342 = tpu.memref_slice %arg12[%sub3A_340, %dma_wait3A_341] : memref<250x80xi32, #tpu.memory_space<vmem>> -> memref<1x80xi32, #tpu.memory_space<vmem>>
            %dma_wait3A_343 = tpu.memref_squeeze %dma_wait3A_342 : memref<1x80xi32, #tpu.memory_space<vmem>> -> memref<80xi32, #tpu.memory_space<vmem>>
            %dma_wait3A_344 = arith.constant 0 : i32
            %dma_wait3A_345 = arith.constant 0 : i32
            %dma_wait3A_346 = tpu.memref_slice %arg16[%dma_wait3A_344, %dma_wait3A_345] : memref<5008x128xf32, #tpu.memory_space<vmem_shared>> -> memref<5008x128xf32, #tpu.memory_space<vmem_shared>>
            tpu.wait_indirect_dma semaphore(%arg19 : memref<!tpu.dma_semaphore, #tpu.memory_space<semaphore_mem>>) src(%arg13 : memref<80x128xf32, #tpu.memory_space<vmem>>) dst(%dma_wait3A_346 : memref<5008x128xf32, #tpu.memory_space<vmem_shared>>)
          } else {
          }
          %dma_start3A_333 = arith.constant 0 : i32
          %dma_start3A_334 = tpu.memref_slice %arg11[%sub3A_321, %dma_start3A_333] : memref<250x80xi32, #tpu.memory_space<vmem>> -> memref<1x80xi32, #tpu.memory_space<vmem>>
          %dma_start3A_335 = tpu.memref_squeeze %dma_start3A_334 : memref<1x80xi32, #tpu.memory_space<vmem>> -> memref<80xi32, #tpu.memory_space<vmem>>
          %dma_start3A_336 = arith.constant 0 : i32
          %dma_start3A_337 = arith.constant 0 : i32
          %dma_start3A_338 = tpu.memref_slice %arg3[%dma_start3A_336, %dma_start3A_337] : memref<10000x128xf32, #tpu.memory_space<hbm>> -> memref<10000x128xf32, #tpu.memory_space<hbm>>
          tpu.enqueue_indirect_dma source(%dma_start3A_338 : memref<10000x128xf32, #tpu.memory_space<hbm>>) target(%arg13 : memref<80x128xf32, #tpu.memory_space<vmem>>) offsets(%dma_start3A_335 : memref<80xi32, #tpu.memory_space<vmem>>) semaphore(%arg17 : memref<!tpu.dma_semaphore, #tpu.memory_space<semaphore_mem>>)
        } else {
        }
        %scan3A_327 = arith.constant 0 : i32
        scf.yield %scan3A_327 : i32
      }
      %scan3A_28 = arith.constant 125 : i32
      %dma_wait3A = arith.constant 248 : i32
      %dma_wait3A_29 = arith.constant 0 : i32
      %dma_wait3A_30 = tpu.memref_slice %arg12[%dma_wait3A, %dma_wait3A_29] : memref<250x80xi32, #tpu.memory_space<vmem>> -> memref<1x80xi32, #tpu.memory_space<vmem>>
      %dma_wait3A_31 = tpu.memref_squeeze %dma_wait3A_30 : memref<1x80xi32, #tpu.memory_space<vmem>> -> memref<80xi32, #tpu.memory_space<vmem>>
      %dma_wait3A_32 = arith.constant 0 : i32
      %dma_wait3A_33 = arith.constant 0 : i32
      %dma_wait3A_34 = tpu.memref_slice %arg16[%dma_wait3A_32, %dma_wait3A_33] : memref<5008x128xf32, #tpu.memory_space<vmem_shared>> -> memref<5008x128xf32, #tpu.memory_space<vmem_shared>>
      tpu.wait_indirect_dma semaphore(%arg19 : memref<!tpu.dma_semaphore, #tpu.memory_space<semaphore_mem>>) src(%arg13 : memref<80x128xf32, #tpu.memory_space<vmem>>) dst(%dma_wait3A_34 : memref<5008x128xf32, #tpu.memory_space<vmem_shared>>)
      %dma_wait3A_35 = arith.constant 249 : i32
      %dma_wait3A_36 = arith.constant 0 : i32
      %dma_wait3A_37 = tpu.memref_slice %arg12[%dma_wait3A_35, %dma_wait3A_36] : memref<250x80xi32, #tpu.memory_space<vmem>> -> memref<1x80xi32, #tpu.memory_space<vmem>>
      %dma_wait3A_38 = tpu.memref_squeeze %dma_wait3A_37 : memref<1x80xi32, #tpu.memory_space<vmem>> -> memref<80xi32, #tpu.memory_space<vmem>>
      %dma_wait3A_39 = arith.constant 0 : i32
      %dma_wait3A_40 = arith.constant 0 : i32
      %dma_wait3A_41 = tpu.memref_slice %arg16[%dma_wait3A_39, %dma_wait3A_40] : memref<5008x128xf32, #tpu.memory_space<vmem_shared>> -> memref<5008x128xf32, #tpu.memory_space<vmem_shared>>
      tpu.wait_indirect_dma semaphore(%arg20 : memref<!tpu.dma_semaphore, #tpu.memory_space<semaphore_mem>>) src(%arg14 : memref<80x128xf32, #tpu.memory_space<vmem>>) dst(%dma_wait3A_41 : memref<5008x128xf32, #tpu.memory_space<vmem_shared>>)
      %barrier3A_42 = arith.constant 0 : index
      tpu.barrier barrier_id(%barrier3A_42)
      %mul3A_43 = arith.constant 312 : i32
      %mul3A_44 = arith.muli %arg1, %mul3A_43 : i32
      %mul3A_45 = arith.constant 312 : i32
      %mul3A_46 = arith.muli %arg1, %mul3A_45 : i32
      "tpu.region"() ({
        %run_scoped3A = tpu.sem_alloc : memref<!tpu.dma_semaphore, #tpu.memory_space<semaphore_mem>>
        %dma_start3A_52 = arith.constant 0 : i32
        %dma_start3A_53 = tpu.memref_slice %arg10[%mul3A_46, %dma_start3A_52] : memref<5000x128xf32, #tpu.memory_space<hbm>> -> memref<312x128xf32, #tpu.memory_space<hbm>>
        %dma_start3A_54 = arith.constant 0 : i32
        %dma_start3A_55 = tpu.memref_slice %arg16[%mul3A_44, %dma_start3A_54] : memref<5008x128xf32, #tpu.memory_space<vmem_shared>> -> memref<312x128xf32, #tpu.memory_space<vmem_shared>>
        tpu.enqueue_dma source(%dma_start3A_55 : memref<312x128xf32, #tpu.memory_space<vmem_shared>>) target(%dma_start3A_53 : memref<312x128xf32, #tpu.memory_space<hbm>>) target_semaphore(%run_scoped3A : memref<!tpu.dma_semaphore, #tpu.memory_space<semaphore_mem>>)
        %dma_wait3A_56 = arith.constant 0 : i32
        %dma_wait3A_57 = tpu.memref_slice %arg10[%mul3A_46, %dma_wait3A_56] : memref<5000x128xf32, #tpu.memory_space<hbm>> -> memref<312x128xf32, #tpu.memory_space<hbm>>
        %dma_wait3A_58 = arith.constant 0 : i32
        %dma_wait3A_59 = tpu.memref_slice %arg16[%mul3A_44, %dma_wait3A_58] : memref<5008x128xf32, #tpu.memory_space<vmem_shared>> -> memref<312x128xf32, #tpu.memory_space<vmem_shared>>
        tpu.wait_dma2 semaphore(%run_scoped3A : memref<!tpu.dma_semaphore, #tpu.memory_space<semaphore_mem>>) src(%dma_wait3A_59 : memref<312x128xf32, #tpu.memory_space<vmem_shared>>) dst(%dma_wait3A_57 : memref<312x128xf32, #tpu.memory_space<hbm>>)
        tpu.yield
      }) : () -> ()
      %eq3A_47 = arith.constant 15 : i32
      %eq3A_48 = arith.cmpi eq, %arg1, %eq3A_47 : i32
      %convert_element_type3A_49 = arith.extui %eq3A_48 : i1 to i32
      %cond3A_50 = arith.constant 0 : i32
      %cond3A_51 = arith.cmpi ne, %convert_element_type3A_49, %cond3A_50 : i32
      scf.if %cond3A_51 {
        "tpu.region"() ({
          %run_scoped3A = tpu.sem_alloc : memref<!tpu.dma_semaphore, #tpu.memory_space<semaphore_mem>>
          %dma_start3A_52 = arith.constant 4992 : i32
          %dma_start3A_53 = arith.constant 0 : i32
          %dma_start3A_54 = tpu.memref_slice %arg10[%dma_start3A_52, %dma_start3A_53] : memref<5000x128xf32, #tpu.memory_space<hbm>> -> memref<8x128xf32, #tpu.memory_space<hbm>>
          %dma_start3A_55 = arith.constant 4992 : i32
          %dma_start3A_56 = arith.constant 0 : i32
          %dma_start3A_57 = tpu.memref_slice %arg16[%dma_start3A_55, %dma_start3A_56] : memref<5008x128xf32, #tpu.memory_space<vmem_shared>> -> memref<8x128xf32, #tpu.memory_space<vmem_shared>>
          tpu.enqueue_dma source(%dma_start3A_57 : memref<8x128xf32, #tpu.memory_space<vmem_shared>>) target(%dma_start3A_54 : memref<8x128xf32, #tpu.memory_space<hbm>>) target_semaphore(%run_scoped3A : memref<!tpu.dma_semaphore, #tpu.memory_space<semaphore_mem>>)
          %dma_wait3A_58 = arith.constant 4992 : i32
          %dma_wait3A_59 = arith.constant 0 : i32
          %dma_wait3A_60 = tpu.memref_slice %arg10[%dma_wait3A_58, %dma_wait3A_59] : memref<5000x128xf32, #tpu.memory_space<hbm>> -> memref<8x128xf32, #tpu.memory_space<hbm>>
          %dma_wait3A_61 = arith.constant 4992 : i32
          %dma_wait3A_62 = arith.constant 0 : i32
          %dma_wait3A_63 = tpu.memref_slice %arg16[%dma_wait3A_61, %dma_wait3A_62] : memref<5008x128xf32, #tpu.memory_space<vmem_shared>> -> memref<8x128xf32, #tpu.memory_space<vmem_shared>>
          tpu.wait_dma2 semaphore(%run_scoped3A : memref<!tpu.dma_semaphore, #tpu.memory_space<semaphore_mem>>) src(%dma_wait3A_63 : memref<8x128xf32, #tpu.memory_space<vmem_shared>>) dst(%dma_wait3A_60 : memref<8x128xf32, #tpu.memory_space<hbm>>)
          tpu.yield
        }) : () -> ()
      } else {
      }
    } else {
    }
    return
  }
}

module attributes {stable_mosaic.version = 14 : i64} {
  func.func @_mm0_body(%arg0: i32, %arg1: memref<1000x2xf32, #tpu.memory_space<vmem>>, %arg2: memref<1000x128xf32, #tpu.memory_space<vmem>>, %arg3: memref<128x256xf32, #tpu.memory_space<vmem>>, %arg4: memref<1000x128xf32, #tpu.memory_space<vmem>>, %arg5: memref<1000x128xf32, #tpu.memory_space<vmem>>) attributes {dimension_semantics = [#tpu.dimension_semantics<arbitrary>], iteration_bounds = array<i64: 10>, scalar_prefetch = 0 : i64, scratch_operands = 0 : i64, tpu.core_type = #tpu.core_type<tc>, window_params = [{transform_indices = @transform_0, window_bounds = array<i64: 1000, 2>}, {transform_indices = @transform_1, window_bounds = array<i64: 1000, 128>}, {pipeline_mode = #tpu.pipeline_mode<synchronous>, transform_indices = @transform_2, window_bounds = array<i64: 128, 256>}, {transform_indices = @transform_3, window_bounds = array<i64: 1000, 128>}, {transform_indices = @transform_4, window_bounds = array<i64: 1000, 128>}]} {
    %get3A = arith.constant 0 : index
    %get3A_0 = arith.constant 0 : index
    %get3A_1 = vector.load %arg1[%get3A, %get3A_0] : memref<1000x2xf32, #tpu.memory_space<vmem>>, vector<1000x2xf32>
    %slice3A = vector.extract_strided_slice %get3A_1 {offsets = [0, 0], sizes = [1000, 1], strides = [1, 1]} : vector<1000x2xf32> to vector<1000x1xf32>
    %squeeze3A = vector.shape_cast %slice3A : vector<1000x1xf32> to vector<1000xf32>
    %slice3A_2 = vector.extract_strided_slice %get3A_1 {offsets = [0, 1], sizes = [1000, 1], strides = [1, 1]} : vector<1000x2xf32> to vector<1000x1xf32>
    %squeeze3A_3 = vector.shape_cast %slice3A_2 : vector<1000x1xf32> to vector<1000xf32>
    %add3A = arith.addf %squeeze3A, %squeeze3A_3 : vector<1000xf32>
    %add3A_4 = arith.constant 1.000000e+00 : f32
    %add3A_5 = vector.broadcast %add3A_4 : f32 to vector<1000xf32>
    %add3A_6 = arith.addf %add3A, %add3A_5 : vector<1000xf32>
    %max3A = arith.constant 9.99999996E-13 : f32
    %max3A_7 = vector.broadcast %max3A : f32 to vector<1000xf32>
    %max3A_8 = arith.maximumf %add3A_6, %max3A_7 : vector<1000xf32>
    %rsqrt3A = math.rsqrt %max3A_8 : vector<1000xf32>
    %get3A_9 = arith.constant 0 : index
    %get3A_10 = arith.constant 0 : index
    %get3A_11 = vector.load %arg2[%get3A_9, %get3A_10] : memref<1000x128xf32, #tpu.memory_space<vmem>>, vector<1000x128xf32>
    %get3A_12 = arith.constant 0 : index
    %get3A_13 = arith.constant 0 : index
    %get3A_14 = vector.load %arg3[%get3A_12, %get3A_13] : memref<128x256xf32, #tpu.memory_space<vmem>>, vector<128x256xf32>
    %dot_general3A = arith.constant dense<0.000000e+00> : vector<1000x256xf32>
    %dot_general3A_15 = tpu.matmul %get3A_11, %get3A_14, %dot_general3A {dimension_numbers = #tpu.dot_dimension_numbers<[1], [0], [0], [1], [0, 0, 1, 1], [], []>, transpose_lhs_hint = false} : vector<1000x128xf32>, vector<128x256xf32>, vector<1000x256xf32> -> vector<1000x256xf32>
    %broadcast_in_dim3A = vector.shape_cast %rsqrt3A : vector<1000xf32> to vector<1000x1xf32>
    %mul3A = vector.broadcast %broadcast_in_dim3A : vector<1000x1xf32> to vector<1000x256xf32>
    %mul3A_16 = arith.mulf %dot_general3A_15, %mul3A : vector<1000x256xf32>
    %slice3A_17 = vector.extract_strided_slice %mul3A_16 {offsets = [0, 0], sizes = [1000, 128], strides = [1, 1]} : vector<1000x256xf32> to vector<1000x128xf32>
    %swap3A = arith.constant 0 : index
    %swap3A_18 = arith.constant 0 : index
    %swap3A_19 = vector.load %arg4[%swap3A, %swap3A_18] : memref<1000x128xf32, #tpu.memory_space<vmem>>, vector<1000x128xf32>
    tpu.vector_store %arg4[%swap3A, %swap3A_18], %slice3A_17 {strides = array<i32>} : memref<1000x128xf32, #tpu.memory_space<vmem>>, vector<1000x128xf32>,
    %slice3A_20 = vector.extract_strided_slice %mul3A_16 {offsets = [0, 128], sizes = [1000, 128], strides = [1, 1]} : vector<1000x256xf32> to vector<1000x128xf32>
    %swap3A_21 = arith.constant 0 : index
    %swap3A_22 = arith.constant 0 : index
    %swap3A_23 = vector.load %arg5[%swap3A_21, %swap3A_22] : memref<1000x128xf32, #tpu.memory_space<vmem>>, vector<1000x128xf32>
    tpu.vector_store %arg5[%swap3A_21, %swap3A_22], %slice3A_20 {strides = array<i32>} : memref<1000x128xf32, #tpu.memory_space<vmem>>, vector<1000x128xf32>,
    return
  }
  func.func @transform_0(%arg0: i32) -> (i32, i32) {
    %c0_i32 = arith.constant 0 : i32
    %c0_i32_0 = arith.constant 0 : i32
    return %arg0, %c0_i32 : i32, i32
  }
  func.func @transform_1(%arg0: i32) -> (i32, i32) {
    %c0_i32 = arith.constant 0 : i32
    %c0_i32_0 = arith.constant 0 : i32
    return %arg0, %c0_i32 : i32, i32
  }
  func.func @transform_2(%arg0: i32) -> (i32, i32) {
    %c0_i32 = arith.constant 0 : i32
    %c0_i32_0 = arith.constant 0 : i32
    %c0_i32_1 = arith.constant 0 : i32
    return %c0_i32, %c0_i32_0 : i32, i32
  }
  func.func @transform_3(%arg0: i32) -> (i32, i32) {
    %c0_i32 = arith.constant 0 : i32
    %c0_i32_0 = arith.constant 0 : i32
    return %arg0, %c0_i32 : i32, i32
  }
  func.func @transform_4(%arg0: i32) -> (i32, i32) {
    %c0_i32 = arith.constant 0 : i32
    %c0_i32_0 = arith.constant 0 : i32
    return %arg0, %c0_i32 : i32, i32
  }
}

module attributes {stable_mosaic.version = 14 : i64} {
  func.func @_stats_body(%arg0: i32, %arg1: memref<1000x2xf32, #tpu.memory_space<vmem>>, %arg2: memref<1000x128xf32, #tpu.memory_space<vmem>>, %arg3: memref<1000x128xf32, #tpu.memory_space<vmem>>, %arg4: memref<2x256xf32, #tpu.memory_space<vmem>>) attributes {dimension_semantics = [#tpu.dimension_semantics<arbitrary>], iteration_bounds = array<i64: 10>, scalar_prefetch = 0 : i64, scratch_operands = 0 : i64, tpu.core_type = #tpu.core_type<tc>, window_params = [{transform_indices = @transform_0, window_bounds = array<i64: 1000, 2>}, {transform_indices = @transform_1, window_bounds = array<i64: 1000, 128>}, {transform_indices = @transform_2, window_bounds = array<i64: 1000, 128>}, {pipeline_mode = #tpu.pipeline_mode<synchronous>, transform_indices = @transform_3, window_bounds = array<i64: 2, 256>}]} {
    %get3A = arith.constant 0 : index
    %get3A_0 = arith.constant 0 : index
    %get3A_1 = vector.load %arg1[%get3A, %get3A_0] : memref<1000x2xf32, #tpu.memory_space<vmem>>, vector<1000x2xf32>
    %slice3A = vector.extract_strided_slice %get3A_1 {offsets = [0, 0], sizes = [1000, 1], strides = [1, 1]} : vector<1000x2xf32> to vector<1000x1xf32>
    %squeeze3A = vector.shape_cast %slice3A : vector<1000x1xf32> to vector<1000xf32>
    %slice3A_2 = vector.extract_strided_slice %get3A_1 {offsets = [0, 1], sizes = [1000, 1], strides = [1, 1]} : vector<1000x2xf32> to vector<1000x1xf32>
    %squeeze3A_3 = vector.shape_cast %slice3A_2 : vector<1000x1xf32> to vector<1000xf32>
    %add3A = arith.addf %squeeze3A, %squeeze3A_3 : vector<1000xf32>
    %add3A_4 = arith.constant 1.000000e+00 : f32
    %add3A_5 = vector.broadcast %add3A_4 : f32 to vector<1000xf32>
    %add3A_6 = arith.addf %add3A, %add3A_5 : vector<1000xf32>
    %max3A = arith.constant 9.99999996E-13 : f32
    %max3A_7 = vector.broadcast %max3A : f32 to vector<1000xf32>
    %max3A_8 = arith.maximumf %add3A_6, %max3A_7 : vector<1000xf32>
    %rsqrt3A = math.rsqrt %max3A_8 : vector<1000xf32>
    %get3A_9 = arith.constant 0 : index
    %get3A_10 = arith.constant 0 : index
    %get3A_11 = vector.load %arg2[%get3A_9, %get3A_10] : memref<1000x128xf32, #tpu.memory_space<vmem>>, vector<1000x128xf32>
    %get3A_12 = arith.constant 0 : index
    %get3A_13 = arith.constant 0 : index
    %get3A_14 = vector.load %arg3[%get3A_12, %get3A_13] : memref<1000x128xf32, #tpu.memory_space<vmem>>, vector<1000x128xf32>
    %concatenate3A = tpu.concatenate %get3A_11, %get3A_14 in 1 : vector<1000x128xf32>, vector<1000x128xf32> -> vector<1000x256xf32>
    %broadcast_in_dim3A = vector.shape_cast %rsqrt3A : vector<1000xf32> to vector<1000x1xf32>
    %mul3A = vector.broadcast %broadcast_in_dim3A : vector<1000x1xf32> to vector<1000x256xf32>
    %mul3A_15 = arith.mulf %concatenate3A, %mul3A : vector<1000x256xf32>
    %reduce_sum3A = arith.constant dense<0.000000e+00> : vector<256xf32>
    %reduce_sum3A_16 = vector.multi_reduction <add>, %mul3A_15, %reduce_sum3A [0] : vector<1000x256xf32> to vector<256xf32>
    %mul3A_17 = arith.mulf %mul3A_15, %mul3A_15 : vector<1000x256xf32>
    %reduce_sum3A_18 = arith.constant dense<0.000000e+00> : vector<256xf32>
    %reduce_sum3A_19 = vector.multi_reduction <add>, %mul3A_17, %reduce_sum3A_18 [0] : vector<1000x256xf32> to vector<256xf32>
    %stack3A = vector.shape_cast %reduce_sum3A_16 : vector<256xf32> to vector<1x256xf32>
    %stack3A_20 = vector.shape_cast %reduce_sum3A_19 : vector<256xf32> to vector<1x256xf32>
    %stack3A_21 = tpu.concatenate %stack3A, %stack3A_20 in 0 : vector<1x256xf32>, vector<1x256xf32> -> vector<2x256xf32>
    %eq3A = arith.constant 0 : i32
    %eq3A_22 = arith.cmpi eq, %arg0, %eq3A : i32
    %convert_element_type3A = arith.extui %eq3A_22 : i1 to i32
    %cond3A = arith.constant 0 : i32
    %cond3A_23 = arith.cmpi ne, %convert_element_type3A, %cond3A : i32
    scf.if %cond3A_23 {
      %swap3A = arith.constant 0 : index
      %swap3A_28 = arith.constant 0 : index
      %swap3A_29 = vector.load %arg4[%swap3A, %swap3A_28] : memref<2x256xf32, #tpu.memory_space<vmem>>, vector<2x256xf32>
      tpu.vector_store %arg4[%swap3A, %swap3A_28], %stack3A_21 {strides = array<i32>} : memref<2x256xf32, #tpu.memory_space<vmem>>, vector<2x256xf32>,
    } else {
    }
    %gt3A = arith.constant 0 : i32
    %gt3A_24 = arith.cmpi sgt, %arg0, %gt3A : i32
    %convert_element_type3A_25 = arith.extui %gt3A_24 : i1 to i32
    %cond3A_26 = arith.constant 0 : i32
    %cond3A_27 = arith.cmpi ne, %convert_element_type3A_25, %cond3A_26 : i32
    scf.if %cond3A_27 {
      %get3A_28 = arith.constant 0 : index
      %get3A_29 = arith.constant 0 : index
      %get3A_30 = vector.load %arg4[%get3A_28, %get3A_29] : memref<2x256xf32, #tpu.memory_space<vmem>>, vector<2x256xf32>
      %add3A_31 = arith.addf %get3A_30, %stack3A_21 : vector<2x256xf32>
      %swap3A = arith.constant 0 : index
      %swap3A_32 = arith.constant 0 : index
      %swap3A_33 = vector.load %arg4[%swap3A, %swap3A_32] : memref<2x256xf32, #tpu.memory_space<vmem>>, vector<2x256xf32>
      tpu.vector_store %arg4[%swap3A, %swap3A_32], %add3A_31 {strides = array<i32>} : memref<2x256xf32, #tpu.memory_space<vmem>>, vector<2x256xf32>,
    } else {
    }
    return
  }
  func.func @transform_0(%arg0: i32) -> (i32, i32) {
    %c0_i32 = arith.constant 0 : i32
    %c0_i32_0 = arith.constant 0 : i32
    return %arg0, %c0_i32 : i32, i32
  }
  func.func @transform_1(%arg0: i32) -> (i32, i32) {
    %c0_i32 = arith.constant 0 : i32
    %c0_i32_0 = arith.constant 0 : i32
    return %arg0, %c0_i32 : i32, i32
  }
  func.func @transform_2(%arg0: i32) -> (i32, i32) {
    %c0_i32 = arith.constant 0 : i32
    %c0_i32_0 = arith.constant 0 : i32
    return %arg0, %c0_i32 : i32, i32
  }
  func.func @transform_3(%arg0: i32) -> (i32, i32) {
    %c0_i32 = arith.constant 0 : i32
    %c0_i32_0 = arith.constant 0 : i32
    %c0_i32_1 = arith.constant 0 : i32
    return %c0_i32, %c0_i32_0 : i32, i32
  }
}

module attributes {stable_mosaic.version = 14 : i64} {
  func.func @_bnmm_body(%arg0: i32, %arg1: memref<1000x2xf32, #tpu.memory_space<vmem>>, %arg2: memref<1000x128xf32, #tpu.memory_space<vmem>>, %arg3: memref<1000x128xf32, #tpu.memory_space<vmem>>, %arg4: memref<2x256xf32, #tpu.memory_space<vmem>>, %arg5: memref<256xf32, #tpu.memory_space<vmem>>, %arg6: memref<256xf32, #tpu.memory_space<vmem>>, %arg7: memref<256x256xf32, #tpu.memory_space<vmem>>, %arg8: memref<1000x128xf32, #tpu.memory_space<vmem>>, %arg9: memref<1000x128xf32, #tpu.memory_space<vmem>>, %arg10: memref<1000x256xf32, #tpu.memory_space<vmem>>) attributes {dimension_semantics = [#tpu.dimension_semantics<arbitrary>], iteration_bounds = array<i64: 10>, scalar_prefetch = 0 : i64, scratch_operands = 0 : i64, tpu.core_type = #tpu.core_type<tc>, window_params = [{transform_indices = @transform_0, window_bounds = array<i64: 1000, 2>}, {transform_indices = @transform_1, window_bounds = array<i64: 1000, 128>}, {transform_indices = @transform_2, window_bounds = array<i64: 1000, 128>}, {pipeline_mode = #tpu.pipeline_mode<synchronous>, transform_indices = @transform_3, window_bounds = array<i64: 2, 256>}, {pipeline_mode = #tpu.pipeline_mode<synchronous>, transform_indices = @transform_4, window_bounds = array<i64: 256>}, {pipeline_mode = #tpu.pipeline_mode<synchronous>, transform_indices = @transform_5, window_bounds = array<i64: 256>}, {pipeline_mode = #tpu.pipeline_mode<synchronous>, transform_indices = @transform_6, window_bounds = array<i64: 256, 256>}, {transform_indices = @transform_7, window_bounds = array<i64: 1000, 128>}, {transform_indices = @transform_8, window_bounds = array<i64: 1000, 128>}, {transform_indices = @transform_9, window_bounds = array<i64: 1000, 256>}]} {
    %get3A = arith.constant 0 : index
    %get3A_0 = arith.constant 0 : index
    %get3A_1 = vector.load %arg1[%get3A, %get3A_0] : memref<1000x2xf32, #tpu.memory_space<vmem>>, vector<1000x2xf32>
    %slice3A = vector.extract_strided_slice %get3A_1 {offsets = [0, 0], sizes = [1000, 1], strides = [1, 1]} : vector<1000x2xf32> to vector<1000x1xf32>
    %squeeze3A = vector.shape_cast %slice3A : vector<1000x1xf32> to vector<1000xf32>
    %slice3A_2 = vector.extract_strided_slice %get3A_1 {offsets = [0, 1], sizes = [1000, 1], strides = [1, 1]} : vector<1000x2xf32> to vector<1000x1xf32>
    %squeeze3A_3 = vector.shape_cast %slice3A_2 : vector<1000x1xf32> to vector<1000xf32>
    %add3A = arith.addf %squeeze3A, %squeeze3A_3 : vector<1000xf32>
    %add3A_4 = arith.constant 1.000000e+00 : f32
    %add3A_5 = vector.broadcast %add3A_4 : f32 to vector<1000xf32>
    %add3A_6 = arith.addf %add3A, %add3A_5 : vector<1000xf32>
    %max3A = arith.constant 9.99999996E-13 : f32
    %max3A_7 = vector.broadcast %max3A : f32 to vector<1000xf32>
    %max3A_8 = arith.maximumf %add3A_6, %max3A_7 : vector<1000xf32>
    %rsqrt3A = math.rsqrt %max3A_8 : vector<1000xf32>
    %get3A_9 = arith.constant 0 : index
    %get3A_10 = arith.constant 0 : index
    %get3A_11 = vector.load %arg2[%get3A_9, %get3A_10] : memref<1000x128xf32, #tpu.memory_space<vmem>>, vector<1000x128xf32>
    %get3A_12 = arith.constant 0 : index
    %get3A_13 = arith.constant 0 : index
    %get3A_14 = vector.load %arg3[%get3A_12, %get3A_13] : memref<1000x128xf32, #tpu.memory_space<vmem>>, vector<1000x128xf32>
    %concatenate3A = tpu.concatenate %get3A_11, %get3A_14 in 1 : vector<1000x128xf32>, vector<1000x128xf32> -> vector<1000x256xf32>
    %broadcast_in_dim3A = vector.shape_cast %rsqrt3A : vector<1000xf32> to vector<1000x1xf32>
    %mul3A = vector.broadcast %broadcast_in_dim3A : vector<1000x1xf32> to vector<1000x256xf32>
    %mul3A_15 = arith.mulf %concatenate3A, %mul3A : vector<1000x256xf32>
    %get3A_16 = arith.constant 0 : index
    %get3A_17 = arith.constant 0 : index
    %get3A_18 = vector.load %arg4[%get3A_16, %get3A_17] : memref<2x256xf32, #tpu.memory_space<vmem>>, vector<1x256xf32>
    %get3A_19 = vector.shape_cast %get3A_18 : vector<1x256xf32> to vector<256xf32>
    %div3A = arith.constant 1.000000e+04 : f32
    %div3A_20 = vector.broadcast %div3A : f32 to vector<256xf32>
    %div3A_21 = arith.divf %get3A_19, %div3A_20 : vector<256xf32>
    %get3A_22 = arith.constant 1 : index
    %get3A_23 = arith.constant 0 : index
    %get3A_24 = vector.load %arg4[%get3A_22, %get3A_23] : memref<2x256xf32, #tpu.memory_space<vmem>>, vector<1x256xf32>
    %get3A_25 = vector.shape_cast %get3A_24 : vector<1x256xf32> to vector<256xf32>
    %div3A_26 = arith.constant 1.000000e+04 : f32
    %div3A_27 = vector.broadcast %div3A_26 : f32 to vector<256xf32>
    %div3A_28 = arith.divf %get3A_25, %div3A_27 : vector<256xf32>
    %mul3A_29 = arith.mulf %div3A_21, %div3A_21 : vector<256xf32>
    %sub3A = arith.subf %div3A_28, %mul3A_29 : vector<256xf32>
    %broadcast_in_dim3A_30 = vector.shape_cast %div3A_21 : vector<256xf32> to vector<1x256xf32>
    %sub3A_31 = vector.broadcast %broadcast_in_dim3A_30 : vector<1x256xf32> to vector<1000x256xf32>
    %sub3A_32 = arith.subf %mul3A_15, %sub3A_31 : vector<1000x256xf32>
    %add3A_33 = arith.constant 9.99999974E-6 : f32
    %add3A_34 = vector.broadcast %add3A_33 : f32 to vector<256xf32>
    %add3A_35 = arith.addf %sub3A, %add3A_34 : vector<256xf32>
    %rsqrt3A_36 = math.rsqrt %add3A_35 : vector<256xf32>
    %broadcast_in_dim3A_37 = vector.shape_cast %rsqrt3A_36 : vector<256xf32> to vector<1x256xf32>
    %mul3A_38 = vector.broadcast %broadcast_in_dim3A_37 : vector<1x256xf32> to vector<1000x256xf32>
    %mul3A_39 = arith.mulf %sub3A_32, %mul3A_38 : vector<1000x256xf32>
    %get3A_40 = arith.constant 0 : index
    %get3A_41 = vector.load %arg5[%get3A_40] : memref<256xf32, #tpu.memory_space<vmem>>, vector<256xf32>
    %broadcast_in_dim3A_42 = vector.shape_cast %get3A_41 : vector<256xf32> to vector<1x256xf32>
    %mul3A_43 = vector.broadcast %broadcast_in_dim3A_42 : vector<1x256xf32> to vector<1000x256xf32>
    %mul3A_44 = arith.mulf %mul3A_39, %mul3A_43 : vector<1000x256xf32>
    %get3A_45 = arith.constant 0 : index
    %get3A_46 = vector.load %arg6[%get3A_45] : memref<256xf32, #tpu.memory_space<vmem>>, vector<256xf32>
    %broadcast_in_dim3A_47 = vector.shape_cast %get3A_46 : vector<256xf32> to vector<1x256xf32>
    %add3A_48 = vector.broadcast %broadcast_in_dim3A_47 : vector<1x256xf32> to vector<1000x256xf32>
    %add3A_49 = arith.addf %mul3A_44, %add3A_48 : vector<1000x256xf32>
    %max3A_50 = arith.constant 0.000000e+00 : f32
    %max3A_51 = vector.broadcast %max3A_50 : f32 to vector<1000x256xf32>
    %max3A_52 = arith.maximumf %add3A_49, %max3A_51 : vector<1000x256xf32>
    %get3A_53 = arith.constant 0 : index
    %get3A_54 = arith.constant 0 : index
    %get3A_55 = vector.load %arg7[%get3A_53, %get3A_54] : memref<256x256xf32, #tpu.memory_space<vmem>>, vector<256x256xf32>
    %dot_general3A = arith.constant dense<0.000000e+00> : vector<1000x256xf32>
    %dot_general3A_56 = tpu.matmul %max3A_52, %get3A_55, %dot_general3A {dimension_numbers = #tpu.dot_dimension_numbers<[1], [0], [0], [1], [0, 0, 1, 1], [], []>, transpose_lhs_hint = false} : vector<1000x256xf32>, vector<256x256xf32>, vector<1000x256xf32> -> vector<1000x256xf32>
    %broadcast_in_dim3A_57 = vector.shape_cast %rsqrt3A : vector<1000xf32> to vector<1000x1xf32>
    %mul3A_58 = vector.broadcast %broadcast_in_dim3A_57 : vector<1000x1xf32> to vector<1000x256xf32>
    %mul3A_59 = arith.mulf %dot_general3A_56, %mul3A_58 : vector<1000x256xf32>
    %slice3A_60 = vector.extract_strided_slice %mul3A_59 {offsets = [0, 0], sizes = [1000, 128], strides = [1, 1]} : vector<1000x256xf32> to vector<1000x128xf32>
    %swap3A = arith.constant 0 : index
    %swap3A_61 = arith.constant 0 : index
    %swap3A_62 = vector.load %arg8[%swap3A, %swap3A_61] : memref<1000x128xf32, #tpu.memory_space<vmem>>, vector<1000x128xf32>
    tpu.vector_store %arg8[%swap3A, %swap3A_61], %slice3A_60 {strides = array<i32>} : memref<1000x128xf32, #tpu.memory_space<vmem>>, vector<1000x128xf32>,
    %slice3A_63 = vector.extract_strided_slice %mul3A_59 {offsets = [0, 128], sizes = [1000, 128], strides = [1, 1]} : vector<1000x256xf32> to vector<1000x128xf32>
    %swap3A_64 = arith.constant 0 : index
    %swap3A_65 = arith.constant 0 : index
    %swap3A_66 = vector.load %arg9[%swap3A_64, %swap3A_65] : memref<1000x128xf32, #tpu.memory_space<vmem>>, vector<1000x128xf32>
    tpu.vector_store %arg9[%swap3A_64, %swap3A_65], %slice3A_63 {strides = array<i32>} : memref<1000x128xf32, #tpu.memory_space<vmem>>, vector<1000x128xf32>,
    %swap3A_67 = arith.constant 0 : index
    %swap3A_68 = arith.constant 0 : index
    %swap3A_69 = vector.load %arg10[%swap3A_67, %swap3A_68] : memref<1000x256xf32, #tpu.memory_space<vmem>>, vector<1000x256xf32>
    tpu.vector_store %arg10[%swap3A_67, %swap3A_68], %max3A_52 {strides = array<i32>} : memref<1000x256xf32, #tpu.memory_space<vmem>>, vector<1000x256xf32>,
    return
  }
  func.func @transform_0(%arg0: i32) -> (i32, i32) {
    %c0_i32 = arith.constant 0 : i32
    %c0_i32_0 = arith.constant 0 : i32
    return %arg0, %c0_i32 : i32, i32
  }
  func.func @transform_1(%arg0: i32) -> (i32, i32) {
    %c0_i32 = arith.constant 0 : i32
    %c0_i32_0 = arith.constant 0 : i32
    return %arg0, %c0_i32 : i32, i32
  }
  func.func @transform_2(%arg0: i32) -> (i32, i32) {
    %c0_i32 = arith.constant 0 : i32
    %c0_i32_0 = arith.constant 0 : i32
    return %arg0, %c0_i32 : i32, i32
  }
  func.func @transform_3(%arg0: i32) -> (i32, i32) {
    %c0_i32 = arith.constant 0 : i32
    %c0_i32_0 = arith.constant 0 : i32
    %c0_i32_1 = arith.constant 0 : i32
    return %c0_i32, %c0_i32_0 : i32, i32
  }
  func.func @transform_4(%arg0: i32) -> i32 {
    %c0_i32 = arith.constant 0 : i32
    %c0_i32_0 = arith.constant 0 : i32
    return %c0_i32 : i32
  }
  func.func @transform_5(%arg0: i32) -> i32 {
    %c0_i32 = arith.constant 0 : i32
    %c0_i32_0 = arith.constant 0 : i32
    return %c0_i32 : i32
  }
  func.func @transform_6(%arg0: i32) -> (i32, i32) {
    %c0_i32 = arith.constant 0 : i32
    %c0_i32_0 = arith.constant 0 : i32
    %c0_i32_1 = arith.constant 0 : i32
    return %c0_i32, %c0_i32_0 : i32, i32
  }
  func.func @transform_7(%arg0: i32) -> (i32, i32) {
    %c0_i32 = arith.constant 0 : i32
    %c0_i32_0 = arith.constant 0 : i32
    return %arg0, %c0_i32 : i32, i32
  }
  func.func @transform_8(%arg0: i32) -> (i32, i32) {
    %c0_i32 = arith.constant 0 : i32
    %c0_i32_0 = arith.constant 0 : i32
    return %arg0, %c0_i32 : i32, i32
  }
  func.func @transform_9(%arg0: i32) -> (i32, i32) {
    %c0_i32 = arith.constant 0 : i32
    %c0_i32_0 = arith.constant 0 : i32
    return %arg0, %c0_i32 : i32, i32
  }
}

module attributes {stable_mosaic.version = 14 : i64} {
  func.func @_pool_body(%arg0: i32, %arg1: memref<1000x256xf32, #tpu.memory_space<vmem>>, %arg2: memref<1x1x1000xi32, #tpu.memory_space<smem>>, %arg3: memref<1000x1xi32, #tpu.memory_space<vmem>>, %arg4: memref<64x256xf32, #tpu.memory_space<vmem>>, %arg5: memref<64x256xf32, #tpu.memory_space<vmem>>, %arg6: memref<64x128xf32, #tpu.memory_space<vmem>>) attributes {dimension_semantics = [#tpu.dimension_semantics<arbitrary>], iteration_bounds = array<i64: 10>, scalar_prefetch = 0 : i64, scratch_operands = 0 : i64, tpu.core_type = #tpu.core_type<tc>, window_params = [{transform_indices = @transform_0, window_bounds = array<i64: 1000, 256>}, {transform_indices = @transform_1, window_bounds = array<i64: 1, 1, 1000>}, {transform_indices = @transform_2, window_bounds = array<i64: 1000, 1>}, {pipeline_mode = #tpu.pipeline_mode<synchronous>, transform_indices = @transform_3, window_bounds = array<i64: 64, 256>}, {pipeline_mode = #tpu.pipeline_mode<synchronous>, transform_indices = @transform_4, window_bounds = array<i64: 64, 256>}, {pipeline_mode = #tpu.pipeline_mode<synchronous>, transform_indices = @transform_5, window_bounds = array<i64: 64, 128>}]} {
    %eq3A = arith.constant 0 : i32
    %eq3A_0 = arith.cmpi eq, %arg0, %eq3A : i32
    %convert_element_type3A = arith.extui %eq3A_0 : i1 to i32
    %cond3A = arith.constant 0 : i32
    %cond3A_1 = arith.cmpi ne, %convert_element_type3A, %cond3A : i32
    scf.if %cond3A_1 {
      %broadcast_in_dim3A = arith.constant 0.000000e+00 : f32
      %broadcast_in_dim3A_26 = vector.broadcast %broadcast_in_dim3A : f32 to vector<64x256xf32>
      %swap3A = arith.constant 0 : index
      %swap3A_27 = arith.constant 0 : index
      %swap3A_28 = vector.load %arg4[%swap3A, %swap3A_27] : memref<64x256xf32, #tpu.memory_space<vmem>>, vector<64x256xf32>
      tpu.vector_store %arg4[%swap3A, %swap3A_27], %broadcast_in_dim3A_26 {strides = array<i32>} : memref<64x256xf32, #tpu.memory_space<vmem>>, vector<64x256xf32>,
      %broadcast_in_dim3A_29 = arith.constant 0xFF800000 : f32
      %broadcast_in_dim3A_30 = vector.broadcast %broadcast_in_dim3A_29 : f32 to vector<64x256xf32>
      %swap3A_31 = arith.constant 0 : index
      %swap3A_32 = arith.constant 0 : index
      %swap3A_33 = vector.load %arg5[%swap3A_31, %swap3A_32] : memref<64x256xf32, #tpu.memory_space<vmem>>, vector<64x256xf32>
      tpu.vector_store %arg5[%swap3A_31, %swap3A_32], %broadcast_in_dim3A_30 {strides = array<i32>} : memref<64x256xf32, #tpu.memory_space<vmem>>, vector<64x256xf32>,
      %broadcast_in_dim3A_34 = arith.constant 0.000000e+00 : f32
      %broadcast_in_dim3A_35 = vector.broadcast %broadcast_in_dim3A_34 : f32 to vector<64x128xf32>
      %swap3A_36 = arith.constant 0 : index
      %swap3A_37 = arith.constant 0 : index
      %swap3A_38 = vector.load %arg6[%swap3A_36, %swap3A_37] : memref<64x128xf32, #tpu.memory_space<vmem>>, vector<64x128xf32>
      tpu.vector_store %arg6[%swap3A_36, %swap3A_37], %broadcast_in_dim3A_35 {strides = array<i32>} : memref<64x128xf32, #tpu.memory_space<vmem>>, vector<64x128xf32>,
    } else {
    }
    %get3A = arith.constant 0 : index
    %get3A_2 = arith.constant 0 : index
    %get3A_3 = vector.load %arg1[%get3A, %get3A_2] : memref<1000x256xf32, #tpu.memory_space<vmem>>, vector<1000x256xf32>
    %get3A_4 = arith.constant 0 : index
    %get3A_5 = arith.constant 0 : index
    %get3A_6 = vector.load %arg3[%get3A_4, %get3A_5] : memref<1000x1xi32, #tpu.memory_space<vmem>>, vector<1000x1xi32>
    %get3A_7 = arith.constant 0 : index
    %get3A_8 = arith.constant 0 : index
    %get3A_9 = arith.constant 0 : index
    %get3A_10 = memref.load %arg2[%get3A_7, %get3A_8, %get3A_9] : memref<1x1x1000xi32, #tpu.memory_space<smem>>
    %get3A_11 = arith.constant 0 : index
    %get3A_12 = arith.constant 0 : index
    %get3A_13 = arith.constant 999 : index
    %get3A_14 = memref.load %arg2[%get3A_11, %get3A_12, %get3A_13] : memref<1x1x1000xi32, #tpu.memory_space<smem>>
    %add3A = arith.constant 1 : i32
    %add3A_15 = arith.addi %get3A_14, %add3A : i32
    %while3A = arith.constant 0 : i32
    %while3A_16 = arith.subi %add3A_15, %get3A_10 : i32
    %while3A_17 = arith.addi %get3A_10, %while3A_16 : i32
    %while3A_18 = arith.constant 1 : i32
    %while3A_19 = arith.divsi %while3A_16, %while3A_18 : i32
    %while3A_20 = arith.muli %while3A_19, %while3A_18 : i32
    %while3A_21 = arith.addi %get3A_10, %while3A_20 : i32
    %while3A_22 = arith.constant 1 : i32
    %while3A_23 = scf.for %while3A_26 = %get3A_10 to %while3A_21 step %while3A_22 iter_args(%while3A_27 = %while3A) -> (i32)  : i32 {
      %eq3A_28 = vector.broadcast %while3A_26 : i32 to vector<1000x1xi32>
      %eq3A_29 = arith.cmpi eq, %get3A_6, %eq3A_28 : vector<1000x1xi32>
      %jit3A = arith.constant 0xFF800000 : f32
      %broadcast_in_dim3A = vector.shape_cast %eq3A_29 : vector<1000x1xi1> to vector<1000x1xi1>
      %broadcast_in_dim3A_30 = vector.broadcast %broadcast_in_dim3A : vector<1000x1xi1> to vector<1000x256xi1>
      %broadcast_in_dim3A_31 = vector.broadcast %jit3A : f32 to vector<1000x256xf32>
      %select_n3A = arith.select %broadcast_in_dim3A_30, %get3A_3, %broadcast_in_dim3A_31 : vector<1000x256xi1>, vector<1000x256xf32>
      %reduce_max3A = arith.constant dense<0xFF800000> : vector<256xf32>
      %reduce_max3A_32 = vector.multi_reduction <maximumf>, %select_n3A, %reduce_max3A [0] : vector<1000x256xf32> to vector<256xf32>
      %jit3A_33 = arith.constant 0.000000e+00 : f32
      %broadcast_in_dim3A_34 = vector.shape_cast %eq3A_29 : vector<1000x1xi1> to vector<1000x1xi1>
      %broadcast_in_dim3A_35 = vector.broadcast %broadcast_in_dim3A_34 : vector<1000x1xi1> to vector<1000x256xi1>
      %broadcast_in_dim3A_36 = vector.broadcast %jit3A_33 : f32 to vector<1000x256xf32>
      %select_n3A_37 = arith.select %broadcast_in_dim3A_35, %get3A_3, %broadcast_in_dim3A_36 : vector<1000x256xi1>, vector<1000x256xf32>
      %reduce_sum3A = arith.constant dense<0.000000e+00> : vector<256xf32>
      %reduce_sum3A_38 = vector.multi_reduction <add>, %select_n3A_37, %reduce_sum3A [0] : vector<1000x256xf32> to vector<256xf32>
      %convert_element_type3A_39 = arith.extui %eq3A_29 : vector<1000x1xi1> to vector<1000x1xi32>
      %convert_element_type3A_40 = arith.sitofp %convert_element_type3A_39 : vector<1000x1xi32> to vector<1000x1xf32>
      %reduce_sum3A_41 = vector.shape_cast %convert_element_type3A_40 : vector<1000x1xf32> to vector<1x1000x1xf32>
      %reduce_sum3A_42 = arith.constant dense<0.000000e+00> : vector<1xf32>
      %reduce_sum3A_43 = vector.multi_reduction <add>, %reduce_sum3A_41, %reduce_sum3A_42 [1, 2] : vector<1x1000x1xf32> to vector<1xf32>
      %reduce_sum3A_44 = vector.shape_cast %reduce_sum3A_43 : vector<1xf32> to vector<1x1x1xf32>
      %reduce_sum3A_45 = vector.extract %reduce_sum3A_44[0, 0, 0] : f32 from vector<1x1x1xf32>
      %get3A_46 = arith.index_cast %while3A_26 : i32 to index
      %get3A_47 = arith.constant 0 : index
      %get3A_48 = vector.load %arg5[%get3A_46, %get3A_47] : memref<64x256xf32, #tpu.memory_space<vmem>>, vector<1x256xf32>
      %broadcast_in_dim3A_49 = vector.shape_cast %reduce_max3A_32 : vector<256xf32> to vector<1x256xf32>
      %max3A = arith.maximumf %get3A_48, %broadcast_in_dim3A_49 : vector<1x256xf32>
      %swap3A = arith.index_cast %while3A_26 : i32 to index
      %swap3A_50 = arith.constant 0 : index
      %swap3A_51 = vector.load %arg5[%swap3A, %swap3A_50] : memref<64x256xf32, #tpu.memory_space<vmem>>, vector<1x256xf32>
      tpu.vector_store %arg5[%swap3A, %swap3A_50], %max3A {strides = array<i32>} : memref<64x256xf32, #tpu.memory_space<vmem>>, vector<1x256xf32>,
      %get3A_52 = arith.index_cast %while3A_26 : i32 to index
      %get3A_53 = arith.constant 0 : index
      %get3A_54 = vector.load %arg4[%get3A_52, %get3A_53] : memref<64x256xf32, #tpu.memory_space<vmem>>, vector<1x256xf32>
      %broadcast_in_dim3A_55 = vector.shape_cast %reduce_sum3A_38 : vector<256xf32> to vector<1x256xf32>
      %add3A_56 = arith.addf %get3A_54, %broadcast_in_dim3A_55 : vector<1x256xf32>
      %swap3A_57 = arith.index_cast %while3A_26 : i32 to index
      %swap3A_58 = arith.constant 0 : index
      %swap3A_59 = vector.load %arg4[%swap3A_57, %swap3A_58] : memref<64x256xf32, #tpu.memory_space<vmem>>, vector<1x256xf32>
      tpu.vector_store %arg4[%swap3A_57, %swap3A_58], %add3A_56 {strides = array<i32>} : memref<64x256xf32, #tpu.memory_space<vmem>>, vector<1x256xf32>,
      %get3A_60 = arith.index_cast %while3A_26 : i32 to index
      %get3A_61 = arith.constant 0 : index
      %get3A_62 = vector.load %arg6[%get3A_60, %get3A_61] : memref<64x128xf32, #tpu.memory_space<vmem>>, vector<1x128xf32>
      %add3A_63 = vector.broadcast %reduce_sum3A_45 : f32 to vector<1x128xf32>
      %add3A_64 = arith.addf %get3A_62, %add3A_63 : vector<1x128xf32>
      %swap3A_65 = arith.index_cast %while3A_26 : i32 to index
      %swap3A_66 = arith.constant 0 : index
      %swap3A_67 = vector.load %arg6[%swap3A_65, %swap3A_66] : memref<64x128xf32, #tpu.memory_space<vmem>>, vector<1x128xf32>
      tpu.vector_store %arg6[%swap3A_65, %swap3A_66], %add3A_64 {strides = array<i32>} : memref<64x128xf32, #tpu.memory_space<vmem>>, vector<1x128xf32>,
      %while3A_68 = arith.constant 0 : i32
      scf.yield %while3A_68 : i32
    }
    %while3A_24 = arith.constant 1 : i32
    %while3A_25 = scf.for %while3A_26 = %while3A_21 to %while3A_17 step %while3A_24 iter_args(%while3A_27 = %while3A_23) -> (i32)  : i32 {
      %eq3A_28 = vector.broadcast %while3A_26 : i32 to vector<1000x1xi32>
      %eq3A_29 = arith.cmpi eq, %get3A_6, %eq3A_28 : vector<1000x1xi32>
      %jit3A = arith.constant 0xFF800000 : f32
      %broadcast_in_dim3A = vector.shape_cast %eq3A_29 : vector<1000x1xi1> to vector<1000x1xi1>
      %broadcast_in_dim3A_30 = vector.broadcast %broadcast_in_dim3A : vector<1000x1xi1> to vector<1000x256xi1>
      %broadcast_in_dim3A_31 = vector.broadcast %jit3A : f32 to vector<1000x256xf32>
      %select_n3A = arith.select %broadcast_in_dim3A_30, %get3A_3, %broadcast_in_dim3A_31 : vector<1000x256xi1>, vector<1000x256xf32>
      %reduce_max3A = arith.constant dense<0xFF800000> : vector<256xf32>
      %reduce_max3A_32 = vector.multi_reduction <maximumf>, %select_n3A, %reduce_max3A [0] : vector<1000x256xf32> to vector<256xf32>
      %jit3A_33 = arith.constant 0.000000e+00 : f32
      %broadcast_in_dim3A_34 = vector.shape_cast %eq3A_29 : vector<1000x1xi1> to vector<1000x1xi1>
      %broadcast_in_dim3A_35 = vector.broadcast %broadcast_in_dim3A_34 : vector<1000x1xi1> to vector<1000x256xi1>
      %broadcast_in_dim3A_36 = vector.broadcast %jit3A_33 : f32 to vector<1000x256xf32>
      %select_n3A_37 = arith.select %broadcast_in_dim3A_35, %get3A_3, %broadcast_in_dim3A_36 : vector<1000x256xi1>, vector<1000x256xf32>
      %reduce_sum3A = arith.constant dense<0.000000e+00> : vector<256xf32>
      %reduce_sum3A_38 = vector.multi_reduction <add>, %select_n3A_37, %reduce_sum3A [0] : vector<1000x256xf32> to vector<256xf32>
      %convert_element_type3A_39 = arith.extui %eq3A_29 : vector<1000x1xi1> to vector<1000x1xi32>
      %convert_element_type3A_40 = arith.sitofp %convert_element_type3A_39 : vector<1000x1xi32> to vector<1000x1xf32>
      %reduce_sum3A_41 = vector.shape_cast %convert_element_type3A_40 : vector<1000x1xf32> to vector<1x1000x1xf32>
      %reduce_sum3A_42 = arith.constant dense<0.000000e+00> : vector<1xf32>
      %reduce_sum3A_43 = vector.multi_reduction <add>, %reduce_sum3A_41, %reduce_sum3A_42 [1, 2] : vector<1x1000x1xf32> to vector<1xf32>
      %reduce_sum3A_44 = vector.shape_cast %reduce_sum3A_43 : vector<1xf32> to vector<1x1x1xf32>
      %reduce_sum3A_45 = vector.extract %reduce_sum3A_44[0, 0, 0] : f32 from vector<1x1x1xf32>
      %get3A_46 = arith.index_cast %while3A_26 : i32 to index
      %get3A_47 = arith.constant 0 : index
      %get3A_48 = vector.load %arg5[%get3A_46, %get3A_47] : memref<64x256xf32, #tpu.memory_space<vmem>>, vector<1x256xf32>
      %broadcast_in_dim3A_49 = vector.shape_cast %reduce_max3A_32 : vector<256xf32> to vector<1x256xf32>
      %max3A = arith.maximumf %get3A_48, %broadcast_in_dim3A_49 : vector<1x256xf32>
      %swap3A = arith.index_cast %while3A_26 : i32 to index
      %swap3A_50 = arith.constant 0 : index
      %swap3A_51 = vector.load %arg5[%swap3A, %swap3A_50] : memref<64x256xf32, #tpu.memory_space<vmem>>, vector<1x256xf32>
      tpu.vector_store %arg5[%swap3A, %swap3A_50], %max3A {strides = array<i32>} : memref<64x256xf32, #tpu.memory_space<vmem>>, vector<1x256xf32>,
      %get3A_52 = arith.index_cast %while3A_26 : i32 to index
      %get3A_53 = arith.constant 0 : index
      %get3A_54 = vector.load %arg4[%get3A_52, %get3A_53] : memref<64x256xf32, #tpu.memory_space<vmem>>, vector<1x256xf32>
      %broadcast_in_dim3A_55 = vector.shape_cast %reduce_sum3A_38 : vector<256xf32> to vector<1x256xf32>
      %add3A_56 = arith.addf %get3A_54, %broadcast_in_dim3A_55 : vector<1x256xf32>
      %swap3A_57 = arith.index_cast %while3A_26 : i32 to index
      %swap3A_58 = arith.constant 0 : index
      %swap3A_59 = vector.load %arg4[%swap3A_57, %swap3A_58] : memref<64x256xf32, #tpu.memory_space<vmem>>, vector<1x256xf32>
      tpu.vector_store %arg4[%swap3A_57, %swap3A_58], %add3A_56 {strides = array<i32>} : memref<64x256xf32, #tpu.memory_space<vmem>>, vector<1x256xf32>,
      %get3A_60 = arith.index_cast %while3A_26 : i32 to index
      %get3A_61 = arith.constant 0 : index
      %get3A_62 = vector.load %arg6[%get3A_60, %get3A_61] : memref<64x128xf32, #tpu.memory_space<vmem>>, vector<1x128xf32>
      %add3A_63 = vector.broadcast %reduce_sum3A_45 : f32 to vector<1x128xf32>
      %add3A_64 = arith.addf %get3A_62, %add3A_63 : vector<1x128xf32>
      %swap3A_65 = arith.index_cast %while3A_26 : i32 to index
      %swap3A_66 = arith.constant 0 : index
      %swap3A_67 = vector.load %arg6[%swap3A_65, %swap3A_66] : memref<64x128xf32, #tpu.memory_space<vmem>>, vector<1x128xf32>
      tpu.vector_store %arg6[%swap3A_65, %swap3A_66], %add3A_64 {strides = array<i32>} : memref<64x128xf32, #tpu.memory_space<vmem>>, vector<1x128xf32>,
      %while3A_68 = arith.constant 0 : i32
      scf.yield %while3A_68 : i32
    }
    return
  }
  func.func @transform_0(%arg0: i32) -> (i32, i32) {
    %c0_i32 = arith.constant 0 : i32
    %c0_i32_0 = arith.constant 0 : i32
    return %arg0, %c0_i32 : i32, i32
  }
  func.func @transform_1(%arg0: i32) -> (i32, i32, i32) {
    %c0_i32 = arith.constant 0 : i32
    %c0_i32_0 = arith.constant 0 : i32
    %c0_i32_1 = arith.constant 0 : i32
    return %arg0, %c0_i32, %c0_i32_0 : i32, i32, i32
  }
  func.func @transform_2(%arg0: i32) -> (i32, i32) {
    %c0_i32 = arith.constant 0 : i32
    %c0_i32_0 = arith.constant 0 : i32
    return %arg0, %c0_i32 : i32, i32
  }
  func.func @transform_3(%arg0: i32) -> (i32, i32) {
    %c0_i32 = arith.constant 0 : i32
    %c0_i32_0 = arith.constant 0 : i32
    %c0_i32_1 = arith.constant 0 : i32
    return %c0_i32, %c0_i32_0 : i32, i32
  }
  func.func @transform_4(%arg0: i32) -> (i32, i32) {
    %c0_i32 = arith.constant 0 : i32
    %c0_i32_0 = arith.constant 0 : i32
    %c0_i32_1 = arith.constant 0 : i32
    return %c0_i32, %c0_i32_0 : i32, i32
  }
  func.func @transform_5(%arg0: i32) -> (i32, i32) {
    %c0_i32 = arith.constant 0 : i32
    %c0_i32_0 = arith.constant 0 : i32
    %c0_i32_1 = arith.constant 0 : i32
    return %c0_i32, %c0_i32_0 : i32, i32
  }
}

module attributes {stable_mosaic.version = 14 : i64} {
  func.func @_mlp_body(%arg0: memref<64x256xf32, #tpu.memory_space<vmem>>, %arg1: memref<64x256xf32, #tpu.memory_space<vmem>>, %arg2: memref<64x128xf32, #tpu.memory_space<vmem>>, %arg3: memref<512x256xf32, #tpu.memory_space<vmem>>, %arg4: memref<256xf32, #tpu.memory_space<vmem>>, %arg5: memref<256x4xf32, #tpu.memory_space<vmem>>, %arg6: memref<4xf32, #tpu.memory_space<vmem>>, %arg7: memref<64x4xf32, #tpu.memory_space<vmem>>) attributes {dimension_semantics = [], scalar_prefetch = 0 : i64, scratch_operands = 0 : i64, tpu.core_type = #tpu.core_type<tc>} {
    %get3A = arith.constant 0 : index
    %get3A_0 = arith.constant 0 : index
    %get3A_1 = vector.load %arg2[%get3A, %get3A_0] : memref<64x128xf32, #tpu.memory_space<vmem>>, vector<64x1xf32>
    %max3A = arith.constant 1.000000e+00 : f32
    %max3A_2 = vector.broadcast %max3A : f32 to vector<64x1xf32>
    %max3A_3 = arith.maximumf %get3A_1, %max3A_2 : vector<64x1xf32>
    %get3A_4 = arith.constant 0 : index
    %get3A_5 = arith.constant 0 : index
    %get3A_6 = vector.load %arg0[%get3A_4, %get3A_5] : memref<64x256xf32, #tpu.memory_space<vmem>>, vector<64x256xf32>
    %div3A = vector.broadcast %max3A_3 : vector<64x1xf32> to vector<64x256xf32>
    %div3A_7 = arith.divf %get3A_6, %div3A : vector<64x256xf32>
    %get3A_8 = arith.constant 0 : index
    %get3A_9 = arith.constant 0 : index
    %get3A_10 = vector.load %arg1[%get3A_8, %get3A_9] : memref<64x256xf32, #tpu.memory_space<vmem>>, vector<64x256xf32>
    %concatenate3A = tpu.concatenate %div3A_7, %get3A_10 in 1 : vector<64x256xf32>, vector<64x256xf32> -> vector<64x512xf32>
    %get3A_11 = arith.constant 0 : index
    %get3A_12 = arith.constant 0 : index
    %get3A_13 = vector.load %arg3[%get3A_11, %get3A_12] : memref<512x256xf32, #tpu.memory_space<vmem>>, vector<512x256xf32>
    %dot_general3A = arith.constant dense<0.000000e+00> : vector<64x256xf32>
    %dot_general3A_14 = tpu.matmul %concatenate3A, %get3A_13, %dot_general3A {dimension_numbers = #tpu.dot_dimension_numbers<[1], [0], [0], [1], [0, 0, 1, 1], [], []>, transpose_lhs_hint = false} : vector<64x512xf32>, vector<512x256xf32>, vector<64x256xf32> -> vector<64x256xf32>
    %get3A_15 = arith.constant 0 : index
    %get3A_16 = vector.load %arg4[%get3A_15] : memref<256xf32, #tpu.memory_space<vmem>>, vector<256xf32>
    %broadcast_in_dim3A = vector.shape_cast %get3A_16 : vector<256xf32> to vector<1x256xf32>
    %add3A = vector.broadcast %broadcast_in_dim3A : vector<1x256xf32> to vector<64x256xf32>
    %add3A_17 = arith.addf %dot_general3A_14, %add3A : vector<64x256xf32>
    %max3A_18 = arith.constant 0.000000e+00 : f32
    %max3A_19 = vector.broadcast %max3A_18 : f32 to vector<64x256xf32>
    %max3A_20 = arith.maximumf %add3A_17, %max3A_19 : vector<64x256xf32>
    %get3A_21 = arith.constant 0 : index
    %get3A_22 = arith.constant 0 : index
    %get3A_23 = vector.load %arg5[%get3A_21, %get3A_22] : memref<256x4xf32, #tpu.memory_space<vmem>>, vector<256x4xf32>
    %dot_general3A_24 = arith.constant dense<0.000000e+00> : vector<64x4xf32>
    %dot_general3A_25 = tpu.matmul %max3A_20, %get3A_23, %dot_general3A_24 {dimension_numbers = #tpu.dot_dimension_numbers<[1], [0], [0], [1], [0, 0, 1, 1], [], []>, transpose_lhs_hint = false} : vector<64x256xf32>, vector<256x4xf32>, vector<64x4xf32> -> vector<64x4xf32>
    %get3A_26 = arith.constant 0 : index
    %get3A_27 = vector.load %arg6[%get3A_26] : memref<4xf32, #tpu.memory_space<vmem>>, vector<4xf32>
    %broadcast_in_dim3A_28 = vector.shape_cast %get3A_27 : vector<4xf32> to vector<1x4xf32>
    %add3A_29 = vector.broadcast %broadcast_in_dim3A_28 : vector<1x4xf32> to vector<64x4xf32>
    %add3A_30 = arith.addf %dot_general3A_25, %add3A_29 : vector<64x4xf32>
    %swap3A = arith.constant 0 : index
    %swap3A_31 = arith.constant 0 : index
    %swap3A_32 = vector.load %arg7[%swap3A, %swap3A_31] : memref<64x4xf32, #tpu.memory_space<vmem>>, vector<64x4xf32>
    tpu.vector_store %arg7[%swap3A, %swap3A_31], %add3A_30 {strides = array<i32>} : memref<64x4xf32, #tpu.memory_space<vmem>>, vector<64x4xf32>,
    return
  }
}

</mosaic_0001>

<sc_bundles>
// kernel: closed_call.31.cloned.1.call-start
scs
__scs_entry_jumppad:
0x0: {  	(pc) =	sbr.rel $0x88, $3  }
0x1: {  	(tag) =	ssettag $0x0;
	lr =	simm.s32 $0x1  }
0x2: {  	[smem:$0x3F91] =	sst lr;
	_ =	strace $0xD0000000  }
0x3: {  	_ = 	snop  }
0x4: {  	_ = 	snop  }
0x5: {  	_ = 	snop  }
0x6: {  	_ = 	snop  }
0x7: {  	_ = 	snop  }
__scs_overlays_trampoline_lowered:
0x8: {  	[smem:$0x3FA0] =	sst s0  }
0x9: {  	[smem:$0x3FA1] =	sst s1  }
0xa: {  	[smem:$0x3FA2] =	sst s2  }
0xb: {  	[smem:$0x3FA3] =	sst s3  }
0xc: {  	[smem:$0x3FA4] =	sst s4  }
0xd: {  	[smem:$0x3FA5] =	sst s5  }
0xe: {  	[smem:$0x3FA6] =	sst s6  }
0xf: {  	[smem:$0x3FA7] =	sst s7  }
0x10: {  	[smem:$0x3FA8] =	sst s8  }
0x11: {  	[smem:$0x3FA9] =	sst s9;
	s0 =	simm.s32 @!p0 $0x0  }
0x12: {  	s1 =	sld [smem:$0x3F8F];
	s0 =	simm.s32 @p0 $0x1  }
0x13: {  	[smem:$0x3FAA] =	sst s0;
	s0 =	simm.s32 @!p1 $0x0  }
0x14: {  	s2 =	sld [smem:$0x3F8E];
	s0 =	simm.s32 @p1 $0x1  }
0x15: {  	[smem:$0x3FAB] =	sst s0;
	s0 =	simm.s32 @!p2 $0x0  }
0x16: {  	s3 =	sld [smem:$0x3FDB];
	s0 =	simm.s32 @p2 $0x1  }
0x17: {  	s4 =	simm.s32 $0x1BF5;
	[smem:$0x3FAD] =	sst s0  }
0x18: {  	s0 =	sld [smem:$0x3F90];
	_ =	swait.ge [sflag:s4], $0x0  }
0x19: {  	s7 =	sld [smem:$0x3F91]  }
0x1a: {  	s8 =	sadd.s32 $0xFFFFE003, lr  }
0x1b: {  	s9 =	sadd.s32 $0xFFFFFEF7, lr;
	s5 =	simm.s32 $0xFFFFFFFF;
	p2 =	slt.u32 s8, $0xFFFFF086  }
0x1c: {  	p1 =	slt.u32 s9, $0xF7A;
	s5 =	simm.s32 @!p2 $0x0  }
0x1d: {  	s5 =	simm.s32 @p1 $0x1;
	p0 =	seq.s32 s7, s2  }
0x1e: {  	s7 =	smul.u32 @!p0 $0xF7A, s2;
	p2 =	seq.s32 @!p0 s5, $0x0  }
0x1f: {  	s9 =	smul.u32 $0xF7A, s1;
	s8 =	simm.s32 @!p0 $0x1BF5;
	p2 =	por !p2, p0  }
0x20: {  	[sflag:s8] =	ssyncset.s32 @!p0 $0xFFFFF086;
	s6 =	sadd.s32 @!p0 s3, s7;
	s7 =	simm.s32 @!p0 $0x108  }
0x21: {  	s3 =	sadd.s32 s3, s9;
	s6 =	sadd.s32 @!p0 $0x88, s6;
	s7 =	simm.s32 @p2 $0x1082  }
0x22: {  	[simem:s7], [sflag:s8] =	dma.local @!p0 [hbm:s6], $0xF7A  }
0x23: {  	s9 =	sor.u32 $0xD0000000, s2;
	s6 =	simm.s32 $0x108;
	_ =	swait.ge @!p0 [sflag:s8], $0x0  }
0x24: {  	s3 =	sadd.s32 $0x88, s3;
	s6 =	simm.s32 @!p1 $0x1082;
	[sflag:s4] =	ssyncset.s32 $0xFFFFF086  }
0x25: {  	[simem:s6], [sflag:s4] =	dma.local [hbm:s3], $0xF7A  }
0x26: {  	[smem:$0x3F91] =	sst s1;
	(tag) =	ssettag s2;
	_ =	strace s9  }
0x27: {  	s1 =	sld [smem:$0x3FA1]  }
0x28: {  	s2 =	sld [smem:$0x3FA2]  }
0x29: {  	s4 =	sld [smem:$0x3FA4]  }
0x2a: {  	p0 =	seq.s32 s5, $0x0;
	s5 =	sld [smem:$0x3FA5]  }
0x2b: {  	s6 =	sld [smem:$0x3FA6]  }
0x2c: {  	s7 =	sld [smem:$0x3FA7]  }
0x2d: {  	s3 =	simm.s32 $0x108;
	s8 =	sld [smem:$0x3FA8]  }
0x2e: {  	s3 =	simm.s32 @!p0 $0x1082;
	s9 =	sld [smem:$0x3FA9]  }
0x2f: {  	lr =	sadd.s32 s0, s3;
	s0 =	sld [smem:$0x3FA0]  }
0x30: {  	s3 =	sld [smem:$0x3FA3]  }
0x31: {  	[smem:$0x3FAC] =	sst s10  }
0x32: {  	s10 =	sld [smem:$0x3FAA];
	_ =	sdelay $0x3  }
0x33: {  	p0 =	seq.s32 s10, $0x1;
	s10 =	sld [smem:$0x3FAC];
	_ =	sdelay $0x3  }
0x34: {  	[smem:$0x3FAC] =	sst s10  }
0x35: {  	s10 =	sld [smem:$0x3FAB];
	_ =	sdelay $0x3  }
0x36: {  	p1 =	seq.s32 s10, $0x1;
	s10 =	sld [smem:$0x3FAC];
	_ =	sdelay $0x3  }
0x37: {  	[smem:$0x3FAC] =	sst s10  }
0x38: {  	s10 =	sld [smem:$0x3FAD]  }
0x39: {  	_ = 	snop;
	(pc) =	sbr.ind lr, $3  }
0x3a: {  	_ = 	snop  }
0x3b: {  	_ = 	snop  }
0x3c: {  	p2 =	seq.s32 s10, $0x1;
	s10 =	sld [smem:$0x3FAC]  }
0x3d: {  	_ =	shalt  }
0x3e: {  	_ =	shalt  }
0x3f: {  	_ =	shalt  }
0x40: {  	_ =	shalt  }
0x41: {  	_ =	shalt  }
0x42: {  	_ =	shalt  }
0x43: {  	_ =	shalt  }
0x44: {  	_ =	shalt  }
0x45: {  	_ =	shalt  }
0x46: {  	_ =	shalt  }
0x47: {  	_ =	shalt  }
0x48: {  	_ =	shalt  }
0x49: {  	_ =	shalt  }
0x4a: {  	_ =	shalt  }
0x4b: {  	_ =	shalt  }
0x4c: {  	_ =	shalt  }
0x4d: {  	_ =	shalt  }
0x4e: {  	_ =	shalt  }
0x4f: {  	_ =	shalt  }
0x50: {  	_ =	shalt  }
0x51: {  	_ =	shalt  }
0x52: {  	_ =	shalt  }
0x53: {  	_ =	shalt  }
0x54: {  	_ =	shalt  }
0x55: {  	_ =	shalt  }
0x56: {  	_ =	shalt  }
0x57: {  	_ =	shalt  }
0x58: {  	_ =	shalt  }
0x59: {  	_ =	shalt  }
0x5a: {  	_ =	shalt  }
0x5b: {  	_ =	shalt  }
0x5c: {  	_ =	shalt  }
0x5d: {  	_ =	shalt  }
0x5e: {  	_ =	shalt  }
0x5f: {  	_ =	shalt  }
0x60: {  	_ =	shalt  }
0x61: {  	_ =	shalt  }
0x62: {  	_ =	shalt  }
0x63: {  	_ =	shalt  }
0x64: {  	_ =	shalt  }
0x65: {  	_ =	shalt  }
0x66: {  	_ =	shalt  }
0x67: {  	_ =	shalt  }
0x68: {  	_ =	shalt  }
0x69: {  	_ =	shalt  }
0x6a: {  	_ =	shalt  }
0x6b: {  	_ =	shalt  }
0x6c: {  	_ =	shalt  }
0x6d: {  	_ =	shalt  }
0x6e: {  	_ =	shalt  }
0x6f: {  	_ =	shalt  }
0x70: {  	_ =	shalt  }
0x71: {  	_ =	shalt  }
0x72: {  	_ =	shalt  }
0x73: {  	_ =	shalt  }
0x74: {  	_ =	shalt  }
0x75: {  	_ =	shalt  }
0x76: {  	_ =	shalt  }
0x77: {  	_ =	shalt  }
0x78: {  	_ =	shalt  }
0x79: {  	_ =	shalt  }
0x7a: {  	_ =	shalt  }
0x7b: {  	_ =	shalt  }
0x7c: {  	_ =	shalt  }
0x7d: {  	_ =	shalt  }
0x7e: {  	_ =	shalt  }
0x7f: {  	_ =	shalt  }
0x80: {  	_ =	shalt  }
0x81: {  	_ =	shalt  }
0x82: {  	_ =	shalt  }
0x83: {  	_ =	shalt  }
0x84: {  	_ =	shalt  }
0x85: {  	_ =	shalt  }
0x86: {  	_ =	shalt  }
0x87: {  	_ =	shalt  }
.Lfunc_end0:
.L_simem_size_0:
called_computation_lowered:
.L_overlay_start_0:
0x88: {  	s2 =	sld [smem:$0x3FD9]  }
0x89: {  	s3 =	sld [smem:$0x3FFE];
	_ =	sdelay $0x1  }
0x8a: {  	s1 =	srdreg.scid  }
0x8b: {  	s0 =	sand.u32 $0x1, s1  }
0x8c: {  	s16 =	sshll.u32 s0, $0xA;
	s2 =	sadd.s32 s3, s2  }
0x8d: {  	s2 =	sadd.s32 s2, s16  }
0x8e: {  	[smem:$0x3FB8] =	sst s2  }
0x8f: {  	_ = 	snop  }
0x90: {  	(tm) =	ssettm $0x1  }
0x91: {  	s17 =	sld [smem:$0x3FFB];
	_ =	sdelay $0x3  }
0x92: {  	_ =	strace s17  }
0x93: {  	s2 =	sld [smem:$0x3FFC];
	_ =	sdelay $0x3  }
0x94: {  	_ =	strace s2  }
0x95: {  	s2 =	sld [smem:$0x3FFD];
	_ =	sdelay $0x3  }
0x96: {  	_ =	strace s2  }
0x97: {  	_ =	strace $0x8FFFFFFF  }
0x98: {  	s18 =	sld [smem:$0x3FDB];
	_ =	sdelay $0x1  }
0x99: {  	s19 =	simm.s32 $_scs_section_size  }
0x9a: {  	s4 =	simm.s32 $_size__tile_overlayer_lowered;
	s5 =	simm.s32 $_tile_overlayer_lowered  }
0x9b: {  	s22 =	simm.s32 $0x1BFF;
	s21 =	sshll.u32 s5, $0x1;
	s2 =	sadd.s32 s19, s18  }
0x9c: {  	s6 =	simm.s32 $0x0;
	s20 =	sshll.u32 s4, $0x1;
	s4 =	sadd.s32 s21, s2  }
0x9d: {  	[timem:s6], [sflag:s22] =	dma.local [hbm:s4], s20  }
0x9e: {  	_ =	swait.ge [sflag:s22], s20  }
0x9f: {  	s3 =	ssub.s32 $0x0, s20;
	[sflag:s22] =	ssyncset.done $0x0  }
0xa0: {  	[sflag:s22] =	ssyncadd.s32 s3;
	_ =	sdelay $0x1  }
0xa1: {  	s23 =	simm.s32 $0x1B8B  }
0xa2: {  	_ =	swait.ge [sflag:s23], $0x1  }
0xa3: {  	[sflag:s23] =	ssyncset.done $0x0  }
0xa4: {  	s25 =	simm.s32 $0x1B8E;
	s24 =	sld [smem:$0x3FFE];
	[sflag:s23] =	ssyncadd.s32 $0xFFFFFFFF  }
0xa5: {  	s26 =	simm.s32 $execute0_lowered;
	[smem:$0x3FD2] =	sst s25  }
0xa6: {  	s4 =	sshll.u32 s26, $0x1;
	_ =	strace $0x80000049;
	[dreg:$0x1] =	wrdreg $0xFFFFFFFF  }
0xa7: {  	s28 =	simm.s32 $_size_execute0_lowered;
	s2 =	sadd.s32 s2, s4;
	[dreg:$0x0] =	wrdreg $0x0  }
0xa8: {  	s4 =	sshll.u32 s28, $0x1;
	[dreg:$0x2] =	wrdreg s2  }
0xa9: {  	[dreg:$0x3] =	wrdreg s4  }
0xaa: {  	[dreg:$0x4] =	wrdreg $0xC0  }
0xab: {  	_ =	task [dreg:s6], $0x5FFFF  }
0xac: {  	[dreg:$0x1] =	wrdreg $0xFFFFFFFF  }
0xad: {  	[dreg:$0x0] =	wrdreg $0x60  }
0xae: {  	[dreg:$0x2] =	wrdreg s24  }
0xaf: {  	[dreg:$0x3] =	wrdreg $0x150800  }
0xb0: {  	[dreg:$0x4] =	wrdreg $0x9  }
0xb1: {  	_ =	task.clear_ibuf [dreg:s6], $0x5FFFF;
	_ =	strace $0x90000049  }
0xb2: {  	s29 =	simm.s32 $0x9;
	_ =	strace $0x8000004B  }
0xb3: {  	_ =	swait.ge [sflag:s29], $0x1  }
0xb4: {  	[sflag:s29] =	ssyncadd.s32 $0xFFFFFFFF  }
0xb5: {  	_ =	strace $0x9000004B  }
0xb6: {  	_ =	sfence  }
0xb7: {  	s30 =	sld [smem:$0x0];
	_ =	sdelay $0x2  }
0xb8: {  	s31 =	sshll.u32 s1, $0xD;
	s1 =	sshrl.u32 s1, $0x2  }
0xb9: {  	s3 =	sand.u32 $0x4000, s31;
	s1 =	sadd.s32 s1, s30  }
0xba: {  	s0 =	sor.u32 s3, s0;
	s1 =	sshll.u32 s1, $0x11  }
0xbb: {  	s0 =	sor.u32 s1, s0  }
0xbc: {  	s0 =	sadd.s32 $0x8F2B, s0  }
0xbd: {  	[sflag:s0] =	ssyncadd.remote.s32 $0x1  }
0xbe: {  	_ =	sfence.sel $0xFFFF  }
0xbf: {  	[dreg:$0x0] =	wrdreg $0xFFFFFFFF;
	(pc) =	sbr.abs _section_cstart, $3  }
0xc0: {  	[dreg:$0x1] =	wrdreg $0xFFFFFFFF  }
0xc1: {  	_ =	task.clear_ibuf [dreg:s6], $0x2FFFF;
	_ =	strace $0x9FFFFFFF  }
0xc2: {  	(tm) =	ssettm $0x7FFFFFFF  }
0xc3: {  	_ =	shalt  }
tec
execute0_lowered:
.L_overlay_start_1:
0x0: {  	(tag) =	ssettag $0x1  }
0x1: {  	s0 =	rddreg [dreg:$0x0]  }
0x2: {  	s2 =	rddreg [dreg:$0x1];
	s1 =	simm.s32 $0x0  }
0x3: {  	s14 =	stileid.u32;
	s7 =	srdreg.scid;
	s21 =	simm.s32 $0x5  }
0x4: {  	s28 =	simm.s32 $0x10000;
	s29 =	simm.s32 $0x1;
	s30 =	simm.s32 $0x12800  }
0x5: {  	s31 =	simm.s32 $0x2;
	[smem:$0x7FF] =	sst s1;
	s22 =	smul.u32 $0x1380, s14  }
0x6: {  	s4 =	sadd.s32 $0x8BC00, s0;
	s5 =	sadd.s32 $0xB2E00, s0;
	s6 =	sadd.s32 $0x14A00, s0  }
0x7: {  	s8 =	sshll.u32 s14, $0xC;
	s9 =	sand.u32 $0x1, s7;
	s7 =	sadd.s32 $0x111400, s0  }
0x8: {  	s10 =	smul.u32 $0x27000, s14;
	s25 =	sadd.s32 $0xFD800, s0;
	s16 =	sadd.s32 $0x111200, s0  }
0x9: {  	s20 =	sshll.u32 s14, $0x6;
	p1 =	sne.s32 s14, $0xF;
	p2 =	seq.s32 s14, $0xF  }
0xa: {  	s1 =	simm.s32 $0x4;
	_ =	strace $0x8000004A;
	s11 =	sadd.s32 s8, s0  }
0xb: {  	s12 =	ssub.s32 $0x2, s9;
	s8 =	sadd.s32 $0x124E00, s0;
	p0 =	seq.s32 s9, $0x1  }
0xc: {  	[dreg:$0x4] =	wrdreg s25;
	s19 =	sor.u32 $0x1C05, s20;
	s25 =	simm.s32 $0x8000  }
0xd: {  	s3 =	sadd.s32 s22, s0;
	s13 =	sshrl.u32 s12, $0x1;
	s10 =	sshrl.u32 s10, $0x2  }
0xe: {  	s26 =	sadd.s32 s7, s22;
	s17 =	sadd.s32 s8, s22;
	s0 =	simm.s32 $0x3  }
.Ltmp0:
0xf: {  	s18 =	ssub.s32 s12, s13;
	s23 =	sadd.s32 s10, s2;
	(pc) =	sbr.rel .LBB2_1-.Ltmp0, $4  }
0x10: {  	s24 =	sadd.s32 $0xEA000, s3;
	s10 =	sadd.s32 $0x9C000, s2;
	s12 =	sadd.s32 $0xDA000, s11  }
0x11: {  	s13 =	sadd.s32 $0x4A00, s11;
	[dreg:$0x5] =	wrdreg s26;
	s15 =	sadd.s32 $0xFDA00, s3  }
0x12: {  	s26 =	simm.s32 $0x50;
	s3 =	simm.s32 $0x0;
	[dreg:$0x3] =	wrdreg s24  }
0x13: {  	s18 =	smax.u32 s18, $0x1;
	s23 =	sshrl.u32 s23, $0x3;
	s24 =	sshrl.u32 @!p1 s10, $0x3  }
.LBB2_10:
0x14: {  	s9 =	sadd.s32 $0x13800, s9;
	s11 =	sshrl.u32 s10, $0x3  }
0x15: {  	[hbm:s9], [sflag:s22] =	dma.local [spmem:s11], $0x80  }
0x16: {  	_ =	swait.ge [sflag:s21], $0x80  }
0x17: {  	[sflag:s21] =	ssyncset.done $0x0  }
0x18: {  	[sflag:s21] =	ssyncadd.s32 $0xFFFFFF80  }
.LBB2_11:
0x19: {  	s3 =	sadd.s32 $0x1, s3  }
0x1a: {  	p3 =	sne.s32 s3, s18  }
.Ltmp1:
0x1b: {  	_ = 	snop;
	(pc) =	sbr.rel @!p3 .LBB2_12-.Ltmp1, $1  }
0x1c: {  	_ =	sdelay $0x3  }
.LBB2_1:
0x1d: {  	s9 =	simm.s32 $0x0;
	s11 =	simm.s32 $0x15000  }
0x1e: {  	[tilespmem:s11], [sflag:$0x5] =	stream.linear.gather [hbm4b:s6+s9], $0x80, $0x38;
	[tilespmem:$0x1ED00] =	vst v63  }
.Ltmp2:
0x1f: {  	_ = 	snop;
	(pc) =	sbr.rel @!p0 .LBB2_2-.Ltmp2, $4  }
0x20: {  	_ =	swait.ge [sflag:s21], $0x80  }
0x21: {  	[sflag:s21] =	ssyncset.done $0x0  }
0x22: {  	[sflag:s21] =	ssyncadd.s32 $0xFFFFFF80  }
0x23: {  	v0 =	vld [tilespmem:$0x15000]  }
0x24: {  	[spmem:s23], [sflag:s19] =	dma.local [hbm:s15], $0x1380  }
0x25: {  	_ =	swait.ge [sflag:s21], $0x1380  }
0x26: {  	[sflag:s21] =	ssyncset.done $0x0  }
0x27: {  	s9 =	simm.s32 @!p1 $0x5;
	[sflag:s21] =	ssyncadd.s32 $0xFFFFEC80  }
0x28: {  	[spmem:s24], [sflag:s19] =	dma.local @!p1 [hbm:s16], $0x80  }
0x29: {  	_ =	swait.ge @!p1 [sflag:s9], $0x80  }
0x2a: {  	[sflag:s9] =	ssyncset.done @!p1 $0x0  }
0x2b: {  	[sflag:s9] =	ssyncadd.s32 @!p1 $0xFFFFFF80;
	s9 =	simm.s32 $0x0  }
0x2c: {  	[tilespmem:s9], [sflag:$0x5] =	stream.linear.gather [hbm4b:s12+s9], $0x7D00, $0x38;
	[tilespmem:$0x1ED00] =	vst v63  }
0x2d: {  	_ =	swait.ge [sflag:s21], $0x7D00  }
0x2e: {  	[sflag:s21] =	ssyncset.done $0x0  }
0x2f: {  	[sflag:s21] =	ssyncadd.s32 $0xFFFF8300  }
0x30: {  	[tilespmem:s25], [sflag:$0x5] =	stream.linear.gather [hbm4b:s13+s9], $0x7D00, $0x38;
	[tilespmem:$0x1ED00] =	vst v63  }
0x31: {  	_ =	swait.ge [sflag:s21], $0x7D00  }
0x32: {  	[sflag:s21] =	ssyncset.done $0x0  }
0x33: {  	[sflag:s21] =	ssyncadd.s32 $0xFFFF8300  }
0x34: {  	[bflag:$0x0] =	sbarrier.arrive $0xFFFF  }
0x35: {  	v1 =	vadd.s32 $0x1388, v0;
	[tilespmem:s28], [sflag:$0x1] =	stream.indirect.gather [hbm4b:s5+s26], $0x80, s9, s26, $0xb8;
	[tilespmem:$0x1ED00] =	vst v63  }
.LBB2_7:
0x36: {  	s11 =	sshra.s32 s9, $0x2  }
0x37: {  	v2 =	vld [tilespmem:s11+$0x8000];
	_ =	sdelay $0x1  }
0x38: {  	v3 =	vld [tilespmem:s11+$0x8010]  }
0x39: {  	v4 =	vld [tilespmem:s11+$0x8020]  }
0x3a: {  	v6 =	vld [tilespmem:s11+$0x8030]  }
0x3b: {  	vm0 =	vge.s32 v2, v0  }
0x3c: {  	v7 =	vld [tilespmem:s11+$0x8040];
	vm1 =	vlt.s32 v2, v1;
	v5 =	vsub.s32 v2, v0;
	v2 =	vand.u32 $0x7, v2  }
0x3d: {  	vm10 =	vge.s32 v3, v0;
	vm2 =	vlt.s32 v3, v1;
	v54 =	vand.u32 $0x7, v3  }
0x3e: {  	vm12 =	vge.s32 v4, v0;
	vm13 =	vlt.s32 v4, v1;
	v3 =	vsub.s32 v3, v0  }
0x3f: {  	v8 =	vsub.s32 v4, v0;
	vm14 =	vge.s32 v6, v0;
	vm3 =	vlt.s32 v6, v1  }
0x40: {  	v4 =	vand.u32 $0x7, v4;
	v9 =	vand.u32 $0x7, v6;
	v6 =	vsub.s32 v6, v0  }
0x41: {  	vm15 =	vge.s32 v7, v0;
	vm4 =	vlt.s32 v7, v1;
	vm0 =	vmand vm0, vm1  }
0x42: {  	v2 =	vor.u32 $0x1388, v2;
	vm11 =	vmand vm10, vm2;
	vm1 =	vmand vm12, vm13  }
0x43: {  	vm2 =	vmand vm14, vm3;
	v2 =	vsel vm0, v5, v2;
	v5 =	vor.u32 $0x1388, v54  }
0x44: {  	v4 =	vor.u32 $0x1388, v4;
	v9 =	vor.u32 $0x1388, v9;
	[tilespmem:s11+$0x8000] =	vst v2;
	v2 =	vsel vm11, v3, v5  }
0x45: {  	v55 =	vsel vm2, v6, v9;
	v3 =	vsel vm1, v8, v4;
	[tilespmem:s11+$0x8010] =	vst v2;
	v2 =	vand.u32 $0x7, v7  }
0x46: {  	vm0 =	vmand vm15, vm4;
	[tilespmem:s11+$0x8020] =	vst v3;
	v3 =	vsub.s32 v7, v0;
	v2 =	vor.u32 $0x1388, v2  }
0x47: {  	[tilespmem:s11+$0x8030] =	vst v55;
	v2 =	vsel vm0, v3, v2  }
0x48: {  	[tilespmem:s11+$0x8040] =	vst v2  }
0x49: {  	_ =	swait.ge [sflag:s29], $0x2800  }
0x4a: {  	[sflag:s29] =	ssyncset.done $0x0  }
0x4b: {  	p3 =	seq.s32 s9, $0x0;
	s14 =	sadd.s32 $0x8000, s11;
	[sflag:s29] =	ssyncadd.s32 $0xFFFFD800  }
0x4c: {  	[spmem:s2] =	stream.indirect.scatter.add.f32 [tilespmem:s28], [sflag:$0x3], $0x80, s14, s26, $0xb8;
	[tilespmem:$0x1ED00] =	vst v63  }
0x4d: {  	s14 =	simm.s32 @!p3 $0x4  }
0x4e: {  	_ =	swait.ge @!p3 [sflag:s14], $0x2800  }
0x4f: {  	[sflag:s14] =	ssyncset.done @!p3 $0x0  }
0x50: {  	s22 =	sadd.s32 $0x80, s11;
	[sflag:s14] =	ssyncadd.s32 @!p3 $0xFFFFD800  }
0x51: {  	[tilespmem:s30], [sflag:$0x2] =	stream.indirect.gather [hbm4b:s5+s26], $0x80, s22, s26, $0xb8;
	[tilespmem:$0x1ED00] =	vst v63  }
0x52: {  	v2 =	vld [tilespmem:s11+$0x8080]  }
0x53: {  	v3 =	vld [tilespmem:s11+$0x8090]  }
0x54: {  	v56 =	vld [tilespmem:s11+$0x80A0]  }
0x55: {  	v57 =	vld [tilespmem:s11+$0x80B0];
	_ =	sdelay $0x1  }
0x56: {  	vm5 =	vge.s32 v2, v0  }
0x57: {  	v60 =	vld [tilespmem:s11+$0x80C0];
	vm6 =	vlt.s32 v2, v1;
	v58 =	vsub.s32 v2, v0;
	v2 =	vand.u32 $0x7, v2  }
0x58: {  	vm7 =	vge.s32 v3, v0;
	vm8 =	vlt.s32 v3, v1;
	v59 =	vand.u32 $0x7, v3  }
0x59: {  	vm10 =	vge.s32 v56, v0;
	vm11 =	vlt.s32 v56, v1;
	vm12 =	vge.s32 v57, v0  }
0x5a: {  	vm13 =	vlt.s32 v57, v1;
	v3 =	vsub.s32 v3, v0;
	v61 =	vsub.s32 v56, v0  }
0x5b: {  	v4 =	vand.u32 $0x7, v56;
	v62 =	vand.u32 $0x7, v57;
	v5 =	vsub.s32 v57, v0  }
0x5c: {  	vm14 =	vge.s32 v60, v0;
	vm15 =	vlt.s32 v60, v1;
	vm0 =	vmand vm5, vm6  }
0x5d: {  	v2 =	vor.u32 $0x1388, v2;
	vm9 =	vmand vm7, vm8;
	vm1 =	vmand vm10, vm11  }
0x5e: {  	vm2 =	vmand vm12, vm13;
	v6 =	vor.u32 $0x1388, v59;
	v2 =	vsel vm0, v58, v2  }
0x5f: {  	v4 =	vor.u32 $0x1388, v4;
	v9 =	vor.u32 $0x1388, v62;
	v3 =	vsel vm9, v3, v6;
	[tilespmem:s11+$0x8080] =	vst v2  }
0x60: {  	v63 =	vsel vm2, v5, v9;
	v2 =	vsel vm1, v61, v4;
	[tilespmem:s11+$0x8090] =	vst v3;
	v3 =	vand.u32 $0x7, v60  }
0x61: {  	vm0 =	vmand vm14, vm15;
	[tilespmem:s11+$0x80A0] =	vst v2;
	v2 =	vsub.s32 v60, v0;
	v3 =	vor.u32 $0x1388, v3  }
0x62: {  	[tilespmem:s11+$0x80B0] =	vst v63;
	v2 =	vsel vm0, v2, v3  }
0x63: {  	[tilespmem:s11+$0x80C0] =	vst v2  }
0x64: {  	_ =	swait.ge [sflag:s31], $0x2800  }
0x65: {  	p3 =	seq.s32 s9, $0x1F000;
	[sflag:s31] =	ssyncset.done $0x0  }
.Ltmp3:
0x66: {  	s22 =	sadd.s32 $0x8080, s11;
	[sflag:s31] =	ssyncadd.s32 $0xFFFFD800;
	(pc) =	sbr.rel @p3 .LBB2_9-.Ltmp3, $4  }
0x67: {  	[spmem:s2] =	stream.indirect.scatter.add.f32 [tilespmem:s30], [sflag:$0x4], $0x80, s22, s26, $0xb8;
	[tilespmem:$0x1ED00] =	vst v63  }
0x68: {  	_ =	swait.ge [sflag:s0], $0x2800  }
0x69: {  	[sflag:s0] =	ssyncset.done $0x0  }
0x6a: {  	[sflag:s0] =	ssyncadd.s32 $0xFFFFD800  }
.Ltmp4:
0x6b: {  	(pc) =	sbr.rel .LBB2_7-.Ltmp4, $3  }
0x6c: {  	_ =	sdelay $0x1  }
0x6d: {  	s11 =	sadd.s32 $0x100, s11;
	s9 =	sadd.s32 $0x400, s9  }
0x6e: {  	[tilespmem:s28], [sflag:$0x1] =	stream.indirect.gather [hbm4b:s5+s26], $0x80, s11, s26, $0xb8;
	[tilespmem:$0x1ED00] =	vst v63  }
.LBB2_2:
0x6f: {  	s22 =	sor.u32 $0x1C05, s20;
	s9 =	rddreg [dreg:$0x3]  }
0x70: {  	[spmem:s23], [sflag:s22] =	dma.local [hbm:s9], $0x1380  }
0x71: {  	_ =	swait.ge [sflag:s21], $0x1380  }
0x72: {  	[sflag:s21] =	ssyncset.done $0x0  }
0x73: {  	s9 =	rddreg [dreg:$0x4];
	[sflag:s21] =	ssyncadd.s32 $0xFFFFEC80  }
0x74: {  	[spmem:s24], [sflag:s22] =	dma.local @!p1 [hbm:s9], $0x80  }
0x75: {  	s9 =	simm.s32 @!p1 $0x5  }
0x76: {  	_ =	swait.ge @!p1 [sflag:s9], $0x80  }
0x77: {  	[sflag:s9] =	ssyncset.done @!p1 $0x0  }
0x78: {  	[sflag:s9] =	ssyncadd.s32 @!p1 $0xFFFFFF80;
	s9 =	simm.s32 $0x0  }
0x79: {  	[tilespmem:s9], [sflag:$0x5] =	stream.linear.gather [hbm4b:s12+s9], $0x7D00, $0x38;
	[tilespmem:$0x1ED00] =	vst v63  }
0x7a: {  	_ =	swait.ge [sflag:s21], $0x7D00  }
0x7b: {  	[sflag:s21] =	ssyncset.done $0x0  }
0x7c: {  	[sflag:s21] =	ssyncadd.s32 $0xFFFF8300  }
0x7d: {  	[tilespmem:s25], [sflag:$0x5] =	stream.linear.gather [hbm4b:s13+s9], $0x7D00, $0x38;
	[tilespmem:$0x1ED00] =	vst v63  }
0x7e: {  	_ =	swait.ge [sflag:s21], $0x7D00  }
0x7f: {  	[sflag:s21] =	ssyncset.done $0x0  }
0x80: {  	[sflag:s21] =	ssyncadd.s32 $0xFFFF8300  }
0x81: {  	[bflag:$0x0] =	sbarrier.arrive $0xFFFF  }
0x82: {  	v1 =	vadd.s32 $0x1388, v0;
	[tilespmem:s28], [sflag:$0x1] =	stream.indirect.gather [hbm4b:s4+s26], $0x80, s9, s26, $0xb8;
	[tilespmem:$0x1ED00] =	vst v63  }
.LBB2_3:
0x83: {  	s11 =	sshra.s32 s9, $0x2  }
0x84: {  	v2 =	vld [tilespmem:s11+$0x8000];
	_ =	sdelay $0x1  }
0x85: {  	v3 =	vld [tilespmem:s11+$0x8010]  }
0x86: {  	v4 =	vld [tilespmem:s11+$0x8020]  }
0x87: {  	v6 =	vld [tilespmem:s11+$0x8030]  }
0x88: {  	vm0 =	vge.s32 v2, v0  }
0x89: {  	v7 =	vld [tilespmem:s11+$0x8040];
	vm1 =	vlt.s32 v2, v1;
	v5 =	vsub.s32 v2, v0;
	v2 =	vand.u32 $0x7, v2  }
0x8a: {  	vm10 =	vge.s32 v3, v0;
	vm2 =	vlt.s32 v3, v1;
	v54 =	vand.u32 $0x7, v3  }
0x8b: {  	vm12 =	vge.s32 v4, v0;
	vm13 =	vlt.s32 v4, v1;
	v3 =	vsub.s32 v3, v0  }
0x8c: {  	v8 =	vsub.s32 v4, v0;
	vm14 =	vge.s32 v6, v0;
	vm3 =	vlt.s32 v6, v1  }
0x8d: {  	v4 =	vand.u32 $0x7, v4;
	v9 =	vand.u32 $0x7, v6;
	v6 =	vsub.s32 v6, v0  }
0x8e: {  	vm15 =	vge.s32 v7, v0;
	vm4 =	vlt.s32 v7, v1;
	vm0 =	vmand vm0, vm1  }
0x8f: {  	v2 =	vor.u32 $0x1388, v2;
	vm11 =	vmand vm10, vm2;
	vm1 =	vmand vm12, vm13  }
0x90: {  	vm2 =	vmand vm14, vm3;
	v2 =	vsel vm0, v5, v2;
	v5 =	vor.u32 $0x1388, v54  }
0x91: {  	v4 =	vor.u32 $0x1388, v4;
	v9 =	vor.u32 $0x1388, v9;
	[tilespmem:s11+$0x8000] =	vst v2;
	v2 =	vsel vm11, v3, v5  }
0x92: {  	v55 =	vsel vm2, v6, v9;
	v3 =	vsel vm1, v8, v4;
	[tilespmem:s11+$0x8010] =	vst v2;
	v2 =	vand.u32 $0x7, v7  }
0x93: {  	vm0 =	vmand vm15, vm4;
	[tilespmem:s11+$0x8020] =	vst v3;
	v3 =	vsub.s32 v7, v0;
	v2 =	vor.u32 $0x1388, v2  }
0x94: {  	[tilespmem:s11+$0x8030] =	vst v55;
	v2 =	vsel vm0, v3, v2  }
0x95: {  	[tilespmem:s11+$0x8040] =	vst v2  }
0x96: {  	_ =	swait.ge [sflag:s29], $0x2800  }
0x97: {  	[sflag:s29] =	ssyncset.done $0x0  }
0x98: {  	p3 =	seq.s32 s9, $0x0;
	s14 =	sadd.s32 $0x8000, s11;
	[sflag:s29] =	ssyncadd.s32 $0xFFFFD800  }
0x99: {  	[spmem:s2] =	stream.indirect.scatter.add.f32 [tilespmem:s28], [sflag:$0x3], $0x80, s14, s26, $0xb8;
	[tilespmem:$0x1ED00] =	vst v63  }
0x9a: {  	s14 =	simm.s32 @!p3 $0x4  }
0x9b: {  	_ =	swait.ge @!p3 [sflag:s14], $0x2800  }
0x9c: {  	[sflag:s14] =	ssyncset.done @!p3 $0x0  }
0x9d: {  	[sflag:s14] =	ssyncadd.s32 @!p3 $0xFFFFD800;
	s14 =	sadd.s32 $0x80, s11  }
0x9e: {  	[tilespmem:s30], [sflag:$0x2] =	stream.indirect.gather [hbm4b:s4+s26], $0x80, s14, s26, $0xb8;
	[tilespmem:$0x1ED00] =	vst v63  }
0x9f: {  	v2 =	vld [tilespmem:s11+$0x8080]  }
0xa0: {  	v3 =	vld [tilespmem:s11+$0x8090]  }
0xa1: {  	v56 =	vld [tilespmem:s11+$0x80A0]  }
0xa2: {  	v57 =	vld [tilespmem:s11+$0x80B0];
	_ =	sdelay $0x1  }
0xa3: {  	vm5 =	vge.s32 v2, v0  }
0xa4: {  	v60 =	vld [tilespmem:s11+$0x80C0];
	vm6 =	vlt.s32 v2, v1;
	v58 =	vsub.s32 v2, v0;
	v2 =	vand.u32 $0x7, v2  }
0xa5: {  	vm7 =	vge.s32 v3, v0;
	vm8 =	vlt.s32 v3, v1;
	v59 =	vand.u32 $0x7, v3  }
0xa6: {  	vm10 =	vge.s32 v56, v0;
	vm11 =	vlt.s32 v56, v1;
	vm12 =	vge.s32 v57, v0  }
0xa7: {  	vm13 =	vlt.s32 v57, v1;
	v3 =	vsub.s32 v3, v0;
	v61 =	vsub.s32 v56, v0  }
0xa8: {  	v4 =	vand.u32 $0x7, v56;
	v62 =	vand.u32 $0x7, v57;
	v5 =	vsub.s32 v57, v0  }
0xa9: {  	vm14 =	vge.s32 v60, v0;
	vm15 =	vlt.s32 v60, v1;
	vm0 =	vmand vm5, vm6  }
0xaa: {  	v2 =	vor.u32 $0x1388, v2;
	vm9 =	vmand vm7, vm8;
	vm1 =	vmand vm10, vm11  }
0xab: {  	vm2 =	vmand vm12, vm13;
	v6 =	vor.u32 $0x1388, v59;
	v2 =	vsel vm0, v58, v2  }
0xac: {  	v4 =	vor.u32 $0x1388, v4;
	v9 =	vor.u32 $0x1388, v62;
	v3 =	vsel vm9, v3, v6;
	[tilespmem:s11+$0x8080] =	vst v2  }
0xad: {  	v63 =	vsel vm2, v5, v9;
	v2 =	vsel vm1, v61, v4;
	[tilespmem:s11+$0x8090] =	vst v3;
	v3 =	vand.u32 $0x7, v60  }
0xae: {  	vm0 =	vmand vm14, vm15;
	[tilespmem:s11+$0x80A0] =	vst v2;
	v2 =	vsub.s32 v60, v0;
	v3 =	vor.u32 $0x1388, v3  }
0xaf: {  	[tilespmem:s11+$0x80B0] =	vst v63;
	v2 =	vsel vm0, v2, v3  }
0xb0: {  	[tilespmem:s11+$0x80C0] =	vst v2  }
0xb1: {  	_ =	swait.ge [sflag:s31], $0x2800  }
0xb2: {  	p3 =	seq.s32 s9, $0x1F000;
	[sflag:s31] =	ssyncset.done $0x0  }
.Ltmp5:
0xb3: {  	s14 =	sadd.s32 $0x8080, s11;
	[sflag:s31] =	ssyncadd.s32 $0xFFFFD800;
	(pc) =	sbr.rel @p3 .LBB2_5-.Ltmp5, $4  }
0xb4: {  	[spmem:s2] =	stream.indirect.scatter.add.f32 [tilespmem:s30], [sflag:$0x4], $0x80, s14, s26, $0xb8;
	[tilespmem:$0x1ED00] =	vst v63  }
0xb5: {  	_ =	swait.ge [sflag:s0], $0x2800  }
0xb6: {  	[sflag:s0] =	ssyncset.done $0x0  }
0xb7: {  	[sflag:s0] =	ssyncadd.s32 $0xFFFFD800  }
.Ltmp6:
0xb8: {  	(pc) =	sbr.rel .LBB2_3-.Ltmp6, $3  }
0xb9: {  	_ =	sdelay $0x1  }
0xba: {  	s11 =	sadd.s32 $0x100, s11;
	s9 =	sadd.s32 $0x400, s9  }
0xbb: {  	[tilespmem:s28], [sflag:$0x1] =	stream.indirect.gather [hbm4b:s4+s26], $0x80, s11, s26, $0xb8;
	[tilespmem:$0x1ED00] =	vst v63  }
.LBB2_9:
0xbc: {  	_ =	swait.ge [sflag:s1], $0x2800  }
0xbd: {  	[sflag:s1] =	ssyncset.done $0x0  }
0xbe: {  	[sflag:s1] =	ssyncadd.s32 $0xFFFFD800  }
0xbf: {  	[bflag:$0x0] =	sbarrier.arrive $0xFFFF  }
0xc0: {  	[hbm:s17], [sflag:s19] =	dma.local [spmem:s23], $0x1380  }
.Ltmp7:
0xc1: {  	_ = 	snop;
	(pc) =	sbr.rel @p1 .LBB2_11-.Ltmp7, $4  }
.Ltmp8:
0xc2: {  	_ = 	snop;
	(pc) =	sbr.rel @!p1 .LBB2_10-.Ltmp8, $4  }
0xc3: {  	_ =	swait.ge [sflag:s21], $0x1380  }
0xc4: {  	[sflag:s21] =	ssyncset.done $0x0  }
0xc5: {  	s9 =	smov.u32 s8;
	s22 =	smov.u32 s19;
	[sflag:s21] =	ssyncadd.s32 $0xFFFFEC80  }
0xc6: {  	_ = 	snop  }
.LBB2_5:
0xc7: {  	_ =	swait.ge [sflag:s1], $0x2800  }
0xc8: {  	[sflag:s1] =	ssyncset.done $0x0  }
0xc9: {  	[sflag:s1] =	ssyncadd.s32 $0xFFFFD800  }
0xca: {  	[bflag:$0x0] =	sbarrier.arrive $0xFFFF  }
0xcb: {  	s9 =	rddreg [dreg:$0x5]  }
0xcc: {  	[hbm:s9], [sflag:s22] =	dma.local [spmem:s23], $0x1380  }
.Ltmp9:
0xcd: {  	_ = 	snop;
	(pc) =	sbr.rel @p2 .LBB2_10-.Ltmp9, $4  }
.Ltmp10:
0xce: {  	_ = 	snop;
	(pc) =	sbr.rel @!p2 .LBB2_11-.Ltmp10, $4  }
0xcf: {  	_ =	swait.ge [sflag:s21], $0x1380  }
0xd0: {  	[sflag:s21] =	ssyncset.done $0x0  }
0xd1: {  	s9 =	smov.u32 s7;
	[sflag:s21] =	ssyncadd.s32 $0xFFFFEC80  }
0xd2: {  	_ = 	snop  }
.LBB2_12:
0xd3: {  	_ =	sfence.sel $0x180000  }
0xd4: {  	[bflag:$0x0] =	sbarrier.arrive $0xFFFF  }
0xd5: {  	_ =	strace $0x9000004A  }
0xd6: {  	s0 =	stileid.u32;
	[bflag:$0x2] =	sbarrier.arrive $0xFFFF  }
0xd7: {  	p0 =	sne.s32 s0, $0x0;
	s0 =	rddreg [dreg:$0x2]  }
0xd8: {  	s0 =	sadd.s32 @!p0 $0x100000, s0  }
0xd9: {  	[sflag:s0] =	ssyncadd.tile.s32 @!p0 $0x1;
	_ =	shalt  }
.Lfunc_end2:
_tile_overlayer_lowered:
.L_overlay_start_2:
0xda: {  	(tag) =	ssettag $0x2  }
0xdb: {  	s0 =	rddreg [dreg:$0x0];
	s2 =	stileid.u32  }
0xdc: {  	s1 =	rddreg [dreg:$0x1];
	p0 =	sne.s32 s2, $0x0  }
0xdd: {  	s3 =	rddreg [dreg:$0x2];
	[bflag:$0x3] =	sbarrier.arrive $0xFFFF;
	s2 =	simm.s32 @!p0 $0x1C05  }
0xde: {  	[timem:s3], [sflag:s2] =	dma.local @!p0 [hbm:s0], s1  }
0xdf: {  	s0 =	simm.s32 @!p0 $0x5  }
0xe0: {  	_ =	swait.ge @!p0 [sflag:s0], s1  }
0xe1: {  	s1 =	ssub.s32 @!p0 $0x0, s1;
	[sflag:s0] =	ssyncset.done @!p0 $0x0  }
0xe2: {  	[sflag:s0] =	ssyncadd.s32 @!p0 s1  }
0xe3: {  	[bflag:$0x3] =	sbarrier.arrive $0xFFFF  }
0xe4: {  	_ =	shalt  }

// kernel: kernel.6.cloned.1.call-start
scs
__scs_entry_jumppad:
0x0: {  	(pc) =	sbr.rel $0x88, $3  }
0x1: {  	(tag) =	ssettag $0x0;
	lr =	simm.s32 $0x1  }
0x2: {  	[smem:$0x3F91] =	sst lr;
	_ =	strace $0xD0000000  }
0x3: {  	_ = 	snop  }
0x4: {  	_ = 	snop  }
0x5: {  	_ = 	snop  }
0x6: {  	_ = 	snop  }
0x7: {  	_ = 	snop  }
__scs_overlays_trampoline_lowered:
0x8: {  	[smem:$0x3FA0] =	sst s0  }
0x9: {  	[smem:$0x3FA1] =	sst s1  }
0xa: {  	[smem:$0x3FA2] =	sst s2  }
0xb: {  	[smem:$0x3FA3] =	sst s3  }
0xc: {  	[smem:$0x3FA4] =	sst s4  }
0xd: {  	[smem:$0x3FA5] =	sst s5  }
0xe: {  	[smem:$0x3FA6] =	sst s6  }
0xf: {  	[smem:$0x3FA7] =	sst s7  }
0x10: {  	[smem:$0x3FA8] =	sst s8  }
0x11: {  	[smem:$0x3FA9] =	sst s9;
	s0 =	simm.s32 @!p0 $0x0  }
0x12: {  	s1 =	sld [smem:$0x3F8F];
	s0 =	simm.s32 @p0 $0x1  }
0x13: {  	[smem:$0x3FAA] =	sst s0;
	s0 =	simm.s32 @!p1 $0x0  }
0x14: {  	s2 =	sld [smem:$0x3F8E];
	s0 =	simm.s32 @p1 $0x1  }
0x15: {  	[smem:$0x3FAB] =	sst s0;
	s0 =	simm.s32 @!p2 $0x0  }
0x16: {  	s3 =	sld [smem:$0x3FDB];
	s0 =	simm.s32 @p2 $0x1  }
0x17: {  	s4 =	simm.s32 $0x1BF5;
	[smem:$0x3FAD] =	sst s0  }
0x18: {  	s0 =	sld [smem:$0x3F90];
	_ =	swait.ge [sflag:s4], $0x0  }
0x19: {  	s7 =	sld [smem:$0x3F91]  }
0x1a: {  	s8 =	sadd.s32 $0xFFFFE003, lr  }
0x1b: {  	s9 =	sadd.s32 $0xFFFFFEF7, lr;
	s5 =	simm.s32 $0xFFFFFFFF;
	p2 =	slt.u32 s8, $0xFFFFF086  }
0x1c: {  	p1 =	slt.u32 s9, $0xF7A;
	s5 =	simm.s32 @!p2 $0x0  }
0x1d: {  	s5 =	simm.s32 @p1 $0x1;
	p0 =	seq.s32 s7, s2  }
0x1e: {  	s7 =	smul.u32 @!p0 $0xF7A, s2;
	p2 =	seq.s32 @!p0 s5, $0x0  }
0x1f: {  	s9 =	smul.u32 $0xF7A, s1;
	s8 =	simm.s32 @!p0 $0x1BF5;
	p2 =	por !p2, p0  }
0x20: {  	[sflag:s8] =	ssyncset.s32 @!p0 $0xFFFFF086;
	s6 =	sadd.s32 @!p0 s3, s7;
	s7 =	simm.s32 @!p0 $0x108  }
0x21: {  	s3 =	sadd.s32 s3, s9;
	s6 =	sadd.s32 @!p0 $0x88, s6;
	s7 =	simm.s32 @p2 $0x1082  }
0x22: {  	[simem:s7], [sflag:s8] =	dma.local @!p0 [hbm:s6], $0xF7A  }
0x23: {  	s9 =	sor.u32 $0xD0000000, s2;
	s6 =	simm.s32 $0x108;
	_ =	swait.ge @!p0 [sflag:s8], $0x0  }
0x24: {  	s3 =	sadd.s32 $0x88, s3;
	s6 =	simm.s32 @!p1 $0x1082;
	[sflag:s4] =	ssyncset.s32 $0xFFFFF086  }
0x25: {  	[simem:s6], [sflag:s4] =	dma.local [hbm:s3], $0xF7A  }
0x26: {  	[smem:$0x3F91] =	sst s1;
	(tag) =	ssettag s2;
	_ =	strace s9  }
0x27: {  	s1 =	sld [smem:$0x3FA1]  }
0x28: {  	s2 =	sld [smem:$0x3FA2]  }
0x29: {  	s4 =	sld [smem:$0x3FA4]  }
0x2a: {  	p0 =	seq.s32 s5, $0x0;
	s5 =	sld [smem:$0x3FA5]  }
0x2b: {  	s6 =	sld [smem:$0x3FA6]  }
0x2c: {  	s7 =	sld [smem:$0x3FA7]  }
0x2d: {  	s3 =	simm.s32 $0x108;
	s8 =	sld [smem:$0x3FA8]  }
0x2e: {  	s3 =	simm.s32 @!p0 $0x1082;
	s9 =	sld [smem:$0x3FA9]  }
0x2f: {  	lr =	sadd.s32 s0, s3;
	s0 =	sld [smem:$0x3FA0]  }
0x30: {  	s3 =	sld [smem:$0x3FA3]  }
0x31: {  	[smem:$0x3FAC] =	sst s10  }
0x32: {  	s10 =	sld [smem:$0x3FAA];
	_ =	sdelay $0x3  }
0x33: {  	p0 =	seq.s32 s10, $0x1;
	s10 =	sld [smem:$0x3FAC];
	_ =	sdelay $0x3  }
0x34: {  	[smem:$0x3FAC] =	sst s10  }
0x35: {  	s10 =	sld [smem:$0x3FAB];
	_ =	sdelay $0x3  }
0x36: {  	p1 =	seq.s32 s10, $0x1;
	s10 =	sld [smem:$0x3FAC];
	_ =	sdelay $0x3  }
0x37: {  	[smem:$0x3FAC] =	sst s10  }
0x38: {  	s10 =	sld [smem:$0x3FAD]  }
0x39: {  	_ = 	snop;
	(pc) =	sbr.ind lr, $3  }
0x3a: {  	_ = 	snop  }
0x3b: {  	_ = 	snop  }
0x3c: {  	p2 =	seq.s32 s10, $0x1;
	s10 =	sld [smem:$0x3FAC]  }
0x3d: {  	_ =	shalt  }
0x3e: {  	_ =	shalt  }
0x3f: {  	_ =	shalt  }
0x40: {  	_ =	shalt  }
0x41: {  	_ =	shalt  }
0x42: {  	_ =	shalt  }
0x43: {  	_ =	shalt  }
0x44: {  	_ =	shalt  }
0x45: {  	_ =	shalt  }
0x46: {  	_ =	shalt  }
0x47: {  	_ =	shalt  }
0x48: {  	_ =	shalt  }
0x49: {  	_ =	shalt  }
0x4a: {  	_ =	shalt  }
0x4b: {  	_ =	shalt  }
0x4c: {  	_ =	shalt  }
0x4d: {  	_ =	shalt  }
0x4e: {  	_ =	shalt  }
0x4f: {  	_ =	shalt  }
0x50: {  	_ =	shalt  }
0x51: {  	_ =	shalt  }
0x52: {  	_ =	shalt  }
0x53: {  	_ =	shalt  }
0x54: {  	_ =	shalt  }
0x55: {  	_ =	shalt  }
0x56: {  	_ =	shalt  }
0x57: {  	_ =	shalt  }
0x58: {  	_ =	shalt  }
0x59: {  	_ =	shalt  }
0x5a: {  	_ =	shalt  }
0x5b: {  	_ =	shalt  }
0x5c: {  	_ =	shalt  }
0x5d: {  	_ =	shalt  }
0x5e: {  	_ =	shalt  }
0x5f: {  	_ =	shalt  }
0x60: {  	_ =	shalt  }
0x61: {  	_ =	shalt  }
0x62: {  	_ =	shalt  }
0x63: {  	_ =	shalt  }
0x64: {  	_ =	shalt  }
0x65: {  	_ =	shalt  }
0x66: {  	_ =	shalt  }
0x67: {  	_ =	shalt  }
0x68: {  	_ =	shalt  }
0x69: {  	_ =	shalt  }
0x6a: {  	_ =	shalt  }
0x6b: {  	_ =	shalt  }
0x6c: {  	_ =	shalt  }
0x6d: {  	_ =	shalt  }
0x6e: {  	_ =	shalt  }
0x6f: {  	_ =	shalt  }
0x70: {  	_ =	shalt  }
0x71: {  	_ =	shalt  }
0x72: {  	_ =	shalt  }
0x73: {  	_ =	shalt  }
0x74: {  	_ =	shalt  }
0x75: {  	_ =	shalt  }
0x76: {  	_ =	shalt  }
0x77: {  	_ =	shalt  }
0x78: {  	_ =	shalt  }
0x79: {  	_ =	shalt  }
0x7a: {  	_ =	shalt  }
0x7b: {  	_ =	shalt  }
0x7c: {  	_ =	shalt  }
0x7d: {  	_ =	shalt  }
0x7e: {  	_ =	shalt  }
0x7f: {  	_ =	shalt  }
0x80: {  	_ =	shalt  }
0x81: {  	_ =	shalt  }
0x82: {  	_ =	shalt  }
0x83: {  	_ =	shalt  }
0x84: {  	_ =	shalt  }
0x85: {  	_ =	shalt  }
0x86: {  	_ =	shalt  }
0x87: {  	_ =	shalt  }
.Lfunc_end0:
.L_simem_size_0:
called_computation.1_lowered:
.L_overlay_start_0:
0x88: {  	s2 =	sld [smem:$0x3FD9]  }
0x89: {  	s3 =	sld [smem:$0x3FFE];
	_ =	sdelay $0x1  }
0x8a: {  	s1 =	srdreg.scid  }
0x8b: {  	s0 =	sand.u32 $0x1, s1  }
0x8c: {  	s16 =	sshll.u32 s0, $0xA;
	s2 =	sadd.s32 s3, s2  }
0x8d: {  	s2 =	sadd.s32 s2, s16  }
0x8e: {  	[smem:$0x3FB8] =	sst s2  }
0x8f: {  	_ = 	snop  }
0x90: {  	(tm) =	ssettm $0x1  }
0x91: {  	s17 =	sld [smem:$0x3FFB];
	_ =	sdelay $0x3  }
0x92: {  	_ =	strace s17  }
0x93: {  	s2 =	sld [smem:$0x3FFC];
	_ =	sdelay $0x3  }
0x94: {  	_ =	strace s2  }
0x95: {  	s2 =	sld [smem:$0x3FFD];
	_ =	sdelay $0x3  }
0x96: {  	_ =	strace s2  }
0x97: {  	_ =	strace $0x8FFFFFFF  }
0x98: {  	s18 =	sld [smem:$0x3FDB];
	_ =	sdelay $0x1  }
0x99: {  	s19 =	simm.s32 $_scs_section_size  }
0x9a: {  	s4 =	simm.s32 $_size__tile_overlayer_lowered;
	s5 =	simm.s32 $_tile_overlayer_lowered  }
0x9b: {  	s22 =	simm.s32 $0x1BFF;
	s21 =	sshll.u32 s5, $0x1;
	s2 =	sadd.s32 s19, s18  }
0x9c: {  	s6 =	simm.s32 $0x0;
	s20 =	sshll.u32 s4, $0x1;
	s4 =	sadd.s32 s21, s2  }
0x9d: {  	[timem:s6], [sflag:s22] =	dma.local [hbm:s4], s20  }
0x9e: {  	_ =	swait.ge [sflag:s22], s20  }
0x9f: {  	s3 =	ssub.s32 $0x0, s20;
	[sflag:s22] =	ssyncset.done $0x0  }
0xa0: {  	[sflag:s22] =	ssyncadd.s32 s3;
	_ =	sdelay $0x1  }
0xa1: {  	s23 =	simm.s32 $0x1B8B  }
0xa2: {  	_ =	swait.ge [sflag:s23], $0x1  }
0xa3: {  	[sflag:s23] =	ssyncset.done $0x0  }
0xa4: {  	s25 =	simm.s32 $0x1B8E;
	s24 =	sld [smem:$0x3FFE];
	[sflag:s23] =	ssyncadd.s32 $0xFFFFFFFF  }
0xa5: {  	s26 =	simm.s32 $execute0_lowered;
	[smem:$0x3FD2] =	sst s25  }
0xa6: {  	s4 =	sshll.u32 s26, $0x1;
	_ =	strace $0x80000046;
	[dreg:$0x1] =	wrdreg $0xFFFFFFFF  }
0xa7: {  	s28 =	simm.s32 $_size_execute0_lowered;
	s2 =	sadd.s32 s2, s4;
	[dreg:$0x0] =	wrdreg $0x0  }
0xa8: {  	s4 =	sshll.u32 s28, $0x1;
	[dreg:$0x2] =	wrdreg s2  }
0xa9: {  	[dreg:$0x3] =	wrdreg s4  }
0xaa: {  	[dreg:$0x4] =	wrdreg $0xC0  }
0xab: {  	_ =	task [dreg:s6], $0x5FFFF  }
0xac: {  	[dreg:$0x1] =	wrdreg $0xFFFFFFFF  }
0xad: {  	[dreg:$0x0] =	wrdreg $0x60  }
0xae: {  	[dreg:$0x2] =	wrdreg s24  }
0xaf: {  	[dreg:$0x3] =	wrdreg $0x43000  }
0xb0: {  	[dreg:$0x4] =	wrdreg $0x9  }
0xb1: {  	_ =	task.clear_ibuf [dreg:s6], $0x5FFFF;
	_ =	strace $0x90000046  }
0xb2: {  	s29 =	simm.s32 $0x9;
	_ =	strace $0x80000048  }
0xb3: {  	_ =	swait.ge [sflag:s29], $0x1  }
0xb4: {  	[sflag:s29] =	ssyncadd.s32 $0xFFFFFFFF  }
0xb5: {  	_ =	strace $0x90000048  }
0xb6: {  	_ =	sfence  }
0xb7: {  	s30 =	sld [smem:$0x0];
	_ =	sdelay $0x2  }
0xb8: {  	s31 =	sshll.u32 s1, $0xD;
	s1 =	sshrl.u32 s1, $0x2  }
0xb9: {  	s3 =	sand.u32 $0x4000, s31;
	s1 =	sadd.s32 s1, s30  }
0xba: {  	s0 =	sor.u32 s3, s0;
	s1 =	sshll.u32 s1, $0x11  }
0xbb: {  	s0 =	sor.u32 s1, s0  }
0xbc: {  	s0 =	sadd.s32 $0x8F2B, s0  }
0xbd: {  	[sflag:s0] =	ssyncadd.remote.s32 $0x1  }
0xbe: {  	_ =	sfence.sel $0xFFFF  }
0xbf: {  	[dreg:$0x0] =	wrdreg $0xFFFFFFFF;
	(pc) =	sbr.abs _section_cstart, $3  }
0xc0: {  	[dreg:$0x1] =	wrdreg $0xFFFFFFFF  }
0xc1: {  	_ =	task.clear_ibuf [dreg:s6], $0x2FFFF;
	_ =	strace $0x9FFFFFFF  }
0xc2: {  	(tm) =	ssettm $0x7FFFFFFF  }
0xc3: {  	_ =	shalt  }
tec
execute0_lowered:
.L_overlay_start_1:
0x0: {  	(tag) =	ssettag $0x1  }
0x1: {  	s4 =	rddreg [dreg:$0x0]  }
0x2: {  	s2 =	rddreg [dreg:$0x1]  }
0x3: {  	s0 =	rddreg [dreg:$0x2];
	s1 =	stileid.u32  }
0x4: {  	s5 =	srdreg.scid;
	s3 =	simm.s32 $0x0;
	s10 =	simm.s32 $0x50  }
0x5: {  	s11 =	simm.s32 $0x4000;
	s14 =	simm.s32 $0x20;
	s15 =	simm.s32 $0x10  }
0x6: {  	s16 =	simm.s32 $0x0;
	s5 =	sand.u32 $0x1, s5;
	s6 =	smul.u32 $0x500, s1  }
0x7: {  	[smem:$0x7FF] =	sst s3;
	s8 =	sshll.u32 s1, $0xB;
	s29 =	smul.u32 $0xA00, s1  }
0x8: {  	s12 =	sshll.u32 s1, $0x6;
	s7 =	sshll.u32 s5, $0x7;
	_ =	strace $0x80000047  }
0x9: {  	s28 =	sadd.s32 s8, s4;
	s30 =	ssub.s32 $0x2, s5;
	s5 =	sshll.u32 s5, $0xF  }
0xa: {  	s12 =	sor.u32 $0x1C01, s12;
	s6 =	sor.u32 s7, s6;
	s9 =	sshrl.u32 s30, $0x1  }
0xb: {  	s8 =	sshrl.u32 s29, $0x2;
	s5 =	sadd.s32 s5, s28;
	s6 =	sshrl.u32 s6, $0x3  }
0xc: {  	s31 =	ssub.s32 s30, s9;
	s5 =	sadd.s32 $0x4800, s5;
	s9 =	simm.s32 $0x1  }
0xd: {  	s6 =	sadd.s32 s6, s4;
	s4 =	sadd.s32 s8, s2;
	s7 =	smax.u32 s31, $0x1  }
0xe: {  	v0 =	vimm.f32 $0.0e+00;
	v1 =	vimm.f32 $1.000000000e+00;
	s8 =	simm.s32 $0x4080;
	s6 =	sadd.s32 $0x14800, s6;
	s13 =	sshrl.u32 s4, $0x3  }
.LBB2_1:
0xf: {  	[tilespmem:$0x4080] =	vst v0  }
0x10: {  	[tilespmem:$0x4090] =	vst v0  }
0x11: {  	[tilespmem:$0x40A0] =	vst v0  }
0x12: {  	[tilespmem:$0x40B0] =	vst v0  }
0x13: {  	[tilespmem:$0x40C0] =	vst v0  }
0x14: {  	[tilespmem:$0x40D0] =	vst v0  }
0x15: {  	[tilespmem:$0x40E0] =	vst v0  }
0x16: {  	[tilespmem:$0x40F0] =	vst v0  }
0x17: {  	[tilespmem:$0x4100] =	vst v0  }
0x18: {  	[tilespmem:$0x4110] =	vst v0  }
0x19: {  	[tilespmem:$0x4120] =	vst v0  }
0x1a: {  	[tilespmem:$0x4130] =	vst v0  }
0x1b: {  	[tilespmem:$0x4140] =	vst v0  }
0x1c: {  	[tilespmem:$0x4150] =	vst v0  }
0x1d: {  	[tilespmem:$0x4160] =	vst v0  }
0x1e: {  	[tilespmem:$0x4170] =	vst v0  }
0x1f: {  	[tilespmem:$0x4180] =	vst v0  }
0x20: {  	[tilespmem:$0x4190] =	vst v0  }
0x21: {  	[tilespmem:$0x41A0] =	vst v0  }
0x22: {  	[tilespmem:$0x41B0] =	vst v0  }
0x23: {  	[tilespmem:$0x41C0] =	vst v0  }
0x24: {  	[tilespmem:$0x41D0] =	vst v0  }
0x25: {  	[tilespmem:$0x41E0] =	vst v0  }
0x26: {  	[tilespmem:$0x41F0] =	vst v0  }
0x27: {  	[tilespmem:$0x4200] =	vst v0  }
0x28: {  	[tilespmem:$0x4210] =	vst v0  }
0x29: {  	[tilespmem:$0x4220] =	vst v0  }
0x2a: {  	[tilespmem:$0x4230] =	vst v0  }
0x2b: {  	[tilespmem:$0x4240] =	vst v0  }
0x2c: {  	[tilespmem:$0x4250] =	vst v0  }
0x2d: {  	[tilespmem:$0x4260] =	vst v0  }
0x2e: {  	[tilespmem:$0x4270] =	vst v0  }
0x2f: {  	[tilespmem:$0x4280] =	vst v0  }
0x30: {  	[tilespmem:$0x4290] =	vst v0  }
0x31: {  	[tilespmem:$0x42A0] =	vst v0  }
0x32: {  	[tilespmem:$0x42B0] =	vst v0  }
0x33: {  	[tilespmem:$0x42C0] =	vst v0  }
0x34: {  	[tilespmem:$0x42D0] =	vst v0  }
0x35: {  	[tilespmem:$0x42E0] =	vst v0  }
0x36: {  	[tilespmem:$0x42F0] =	vst v0  }
0x37: {  	[tilespmem:$0x4000] =	vst v1  }
0x38: {  	[tilespmem:$0x4010] =	vst v1  }
0x39: {  	[tilespmem:$0x4020] =	vst v1  }
0x3a: {  	[tilespmem:$0x4030] =	vst v1  }
0x3b: {  	[tilespmem:$0x4040] =	vst v1  }
0x3c: {  	[spmem:s4] =	stream.linear.scatter [tilespmem:s8], [sflag:$0x1], $0x280, $0x38;
	[tilespmem:$0x4580] =	vst v63  }
0x3d: {  	_ =	swait.ge [sflag:s9], $0x280  }
0x3e: {  	[sflag:s9] =	ssyncset.done $0x0  }
0x3f: {  	[sflag:s9] =	ssyncadd.s32 $0xFFFFFD80  }
0x40: {  	[tilespmem:s3], [sflag:$0x1] =	stream.linear.gather [hbm4b:s5+s3], $0x3E80, $0x38;
	[tilespmem:$0x4580] =	vst v63  }
0x41: {  	_ =	swait.ge [sflag:s9], $0x3E80  }
0x42: {  	[sflag:s9] =	ssyncset.done $0x0  }
0x43: {  	[sflag:s9] =	ssyncadd.s32 $0xFFFFC180  }
0x44: {  	s17 =	simm.s32 $0x0;
	[bflag:$0x0] =	sbarrier.arrive $0xFFFF  }
0x45: {  	[spmem:s2] =	stream.indirect.scatter.add.f32 [tilespmem:s11], [sflag:$0x1], $0x1, s17, s10, $0xb8;
	[tilespmem:$0x4580] =	vst v63  }
0x46: {  	_ =	swait.ge [sflag:s9], $0x50  }
0x47: {  	s17 =	simm.s32 $0x200;
	[sflag:s9] =	ssyncset.done $0x0  }
.LBB2_2:
0x48: {  	s18 =	sshra.s32 s17, $0x2;
	[sflag:s9] =	ssyncadd.s32 $0xFFFFFFB0;
	p0 =	sne.s32 s17, $0xF800  }
0x49: {  	[spmem:s2] =	stream.indirect.scatter.add.f32 [tilespmem:s11], [sflag:$0x1], $0x1, s18, s10, $0xb8;
	[tilespmem:$0x4580] =	vst v63  }
.Ltmp0:
0x4a: {  	_ = 	snop;
	(pc) =	sbr.rel @p0 .LBB2_2-.Ltmp0, $4  }
0x4b: {  	_ = 	snop  }
0x4c: {  	s17 =	sadd.s32 $0x200, s17  }
0x4d: {  	_ =	swait.ge [sflag:s9], $0x50  }
0x4e: {  	[sflag:s9] =	ssyncset.done $0x0  }
0x4f: {  	s16 =	sadd.s32 $0x1, s16  }
0x50: {  	[sflag:s9] =	ssyncadd.s32 $0xFFFFFFB0;
	p0 =	sne.s32 s16, s7  }
.Ltmp1:
0x51: {  	[bflag:$0x0] =	sbarrier.arrive $0xFFFF;
	(pc) =	sbr.rel @p0 .LBB2_1-.Ltmp1, $4  }
0x52: {  	[hbm:s6@s14], [sflag:s12] =	dma.strided [spmem:s13@s15], $0x50, s9, $0x10   }
0x53: {  	_ =	swait.ge [sflag:s9], $0x50  }
0x54: {  	[sflag:s9] =	ssyncset.done $0x0  }
0x55: {  	[sflag:s9] =	ssyncadd.s32 $0xFFFFFFB0  }
0x56: {  	_ =	sfence.sel $0x180000  }
0x57: {  	[bflag:$0x0] =	sbarrier.arrive $0xFFFF  }
0x58: {  	p0 =	sne.s32 s1, $0x0;
	_ =	strace $0x90000047  }
0x59: {  	s0 =	sadd.s32 @!p0 $0x100000, s0;
	[bflag:$0x2] =	sbarrier.arrive $0xFFFF  }
0x5a: {  	[sflag:s0] =	ssyncadd.tile.s32 @!p0 $0x1;
	_ =	shalt  }
.Lfunc_end2:
_tile_overlayer_lowered:
.L_overlay_start_2:
0x5b: {  	(tag) =	ssettag $0x2  }
0x5c: {  	s0 =	rddreg [dreg:$0x0];
	s2 =	stileid.u32  }
0x5d: {  	s1 =	rddreg [dreg:$0x1];
	p0 =	sne.s32 s2, $0x0  }
0x5e: {  	s3 =	rddreg [dreg:$0x2];
	[bflag:$0x3] =	sbarrier.arrive $0xFFFF;
	s2 =	simm.s32 @!p0 $0x1C01  }
0x5f: {  	[timem:s3], [sflag:s2] =	dma.local @!p0 [hbm:s0], s1  }
0x60: {  	s0 =	simm.s32 @!p0 $0x1  }
0x61: {  	_ =	swait.ge @!p0 [sflag:s0], s1  }
0x62: {  	s1 =	ssub.s32 @!p0 $0x0, s1;
	[sflag:s0] =	ssyncset.done @!p0 $0x0  }
0x63: {  	[sflag:s0] =	ssyncadd.s32 @!p0 s1  }
0x64: {  	[bflag:$0x3] =	sbarrier.arrive $0xFFFF  }
0x65: {  	_ =	shalt  }

</sc_bundles>
